<compile_context>
chip_gen: v7x
topology: tpu7x:2x2x1
jax: 0.10.2.dev20260603
libtpu: 0.0.44.dev20260713+nightly
codegen_flags: <defaults>
</compile_context>

<pallas_src>
import jax
import jax.numpy as jnp
from jax import lax
from jax.experimental import pallas as pl
from jax.experimental.pallas import tpu as pltpu
from jax.experimental.pallas import tpu_sc as plsc

_BATCH = 1024
_SEQ = 200
_DIM = 64
_NC = 2
_NS = 16
_NW = _NC * _NS
_BPW = _BATCH // _NW

_NBUF = 8
_LOOKAHEAD = 5


def _emb_body(idx_hbm, tok_hbm, pos_hbm, out_hbm, idx_v, pos_v, rows_v, gsem, wsem):
    wid = lax.axis_index("s") * _NC + lax.axis_index("c")
    base_b = wid * _BPW

    pltpu.sync_copy(idx_hbm.at[pl.ds(base_b, _BPW)], idx_v)
    pltpu.sync_copy(pos_hbm, pos_v)

    def start_gather(r, buf):
        pltpu.async_copy(tok_hbm.at[idx_v.at[r]], rows_v.at[buf], gsem.at[buf])

    def wait_gather(buf):
        pltpu.make_async_copy(
            tok_hbm.at[idx_v.at[0]], rows_v.at[buf], gsem.at[buf]).wait()

    def start_wb(r, buf):
        pltpu.async_copy(rows_v.at[buf], out_hbm.at[base_b + r], wsem.at[buf])

    def wait_wb(buf):
        pltpu.make_async_copy(
            rows_v.at[buf], out_hbm.at[base_b], wsem.at[buf]).wait()

    for r in range(_LOOKAHEAD):
        start_gather(r, r % _NBUF)

    def chunk_body(r, _):
        buf = lax.rem(r, _NBUF)

        nxt = r + _LOOKAHEAD
        nbuf = lax.rem(nxt, _NBUF)

        @pl.when(r >= _NBUF - _LOOKAHEAD)
        def _():
            wait_wb(nbuf)

        @pl.when(nxt < _BPW)
        def _():
            start_gather(nxt, nbuf)

        wait_gather(buf)

        def add_body(l, _):
            for c in range(_DIM // 16):
                sl = pl.ds(c * 16, 16)
                rows_v[buf, l, sl] = rows_v[buf, l, sl] + pos_v[l, sl]
            return 0

        lax.fori_loop(0, _SEQ, add_body, 0, unroll=4)
        start_wb(r, buf)
        return 0

    lax.fori_loop(0, _BPW, chunk_body, 0)

    for r in range(_BPW - _NBUF + _LOOKAHEAD, _BPW):
        wait_wb(r % _NBUF)


@jax.jit
def _emb_call(idx, token_table, position_table):
    mesh = plsc.VectorSubcoreMesh(core_axis_name="c", subcore_axis_name="s")
    return pl.kernel(
        _emb_body,
        out_type=jax.ShapeDtypeStruct((_BATCH, _SEQ, _DIM), jnp.float32),
        mesh=mesh,
        scratch_types=[
            pltpu.VMEM((_BPW, _SEQ), jnp.int32),
            pltpu.VMEM((_SEQ, _DIM), jnp.float32),
            pltpu.VMEM((_NBUF, _SEQ, _DIM), jnp.float32),
            pltpu.SemaphoreType.DMA((_NBUF,)),
            pltpu.SemaphoreType.DMA((_NBUF,)),
        ],
        compiler_params=pltpu.CompilerParams(use_tc_tiling_on_sc=False),
    )(idx, token_table, position_table)


def kernel(inputs, token_table, position_table):
    return _emb_call(inputs.astype(jnp.int32), token_table, position_table)

# --- scband reference (transcript-rebuilt; emitter-appended) ---
"""Pipeline reference for scband-positional-embedding-9569187135867 (READ-ONLY COPY).

The authoritative reference and input builder live on the scoring server;
editing this copy changes nothing except your own understanding.
"""

import jax, jax.numpy as jnp
import numpy as np

VOCAB = 1000000
SEQ_LEN = 200
EMBED_DIM = 64
BATCH = 1024

def setup_inputs(seed: int = 0) -> dict:
    key = jax.random.key(seed)
    k_idx, k_tok, k_pos = jax.random.split(key, 3)
    inputs = jax.random.randint(k_idx, (BATCH, SEQ_LEN), 0, VOCAB, dtype=jnp.int64 if jax.config.jax_enable_x64 else jnp.int32)
    token_table = jax.random.normal(k_tok, (VOCAB, EMBED_DIM), dtype=jnp.float32)
    position_table = jax.random.normal(k_pos, (SEQ_LEN, EMBED_DIM), dtype=jnp.float32)
    return {"inputs": inputs, "token_table": token_table, "position_table": position_table}

def reference(inputs, token_table, position_table):
    # token embedding lookup: gather rows from the big table
    embedded_tokens = jnp.take(token_table, inputs, axis=0)  # [B, L, D]
    # positional embedding: arange over the sequence dimension
    positions = jnp.arange(inputs.shape[1])
    embedded_positions = jnp.take(position_table, positions, axis=0)  # [L, D]
    return embedded_tokens + embedded_positions[None, :, :]

if __name__ == "__main__":
    import jax
    _d = setup_inputs()
    print(jax.jit(kernel)(*tuple(_d.values())))

</pallas_src>

<mosaic_0001>
#map = affine_map<(d0, d1) -> (0, 0)>
#map1 = affine_map<(d0, d1) -> (0, 0, 0)>
module attributes {stable_mosaic.version = 14 : i64} {
  func.func @_emb_body(%arg0: i32, %arg1: i32, %arg2: memref<1024x200xi32, #tpu.memory_space<hbm>>, %arg3: memref<1000000x64xf32, #tpu.memory_space<hbm>>, %arg4: memref<200x64xf32, #tpu.memory_space<hbm>>, %arg5: memref<1024x200x64xf32, #tpu.memory_space<hbm>>, %arg6: memref<32x200xi32, #tpu.memory_space<vmem>>, %arg7: memref<200x64xf32, #tpu.memory_space<vmem>>, %arg8: memref<8x200x64xf32, #tpu.memory_space<vmem>>, %arg9: memref<8x!tpu.dma_semaphore, #tpu.memory_space<semaphore_mem>>, %arg10: memref<8x!tpu.dma_semaphore, #tpu.memory_space<semaphore_mem>>) attributes {dimension_semantics = [#tpu.dimension_semantics<core_parallel>, #tpu.dimension_semantics<subcore_parallel>], iteration_bounds = array<i64: 2, 16>, scalar_prefetch = 0 : i64, scratch_operands = 5 : i64, tpu.core_type = #tpu.core_type<sc_vector_subcore>, window_params = [{transform_indices = #map}, {transform_indices = #map}, {transform_indices = #map}, {transform_indices = #map1}]} {
    %mul3A = arith.constant 2 : i32
    %mul3A_0 = arith.muli %arg1, %mul3A : i32
    %add3A = arith.addi %mul3A_0, %arg0 : i32
    %mul3A_1 = arith.constant 32 : i32
    %mul3A_2 = arith.muli %add3A, %mul3A_1 : i32
    "tpu.region"() ({
      %run_scoped3A = tpu.sem_alloc : memref<!tpu.dma_semaphore, #tpu.memory_space<semaphore_mem>>
      %dma_start3A_142 = arith.constant 0 : i32
      %dma_start3A_143 = tpu.memref_slice %arg2[%mul3A_2, %dma_start3A_142] : memref<1024x200xi32, #tpu.memory_space<hbm>> -> memref<32x200xi32, #tpu.memory_space<hbm>>
      %dma_start3A_144 = arith.constant 0 : i32
      %dma_start3A_145 = tpu.memref_slice %arg2[%mul3A_2, %dma_start3A_144] : memref<1024x200xi32, #tpu.memory_space<hbm>> -> memref<32x200xi32, #tpu.memory_space<hbm>>
      tpu.enqueue_dma source(%dma_start3A_145 : memref<32x200xi32, #tpu.memory_space<hbm>>) target(%arg6 : memref<32x200xi32, #tpu.memory_space<vmem>>) target_semaphore(%run_scoped3A : memref<!tpu.dma_semaphore, #tpu.memory_space<semaphore_mem>>)
      %dma_wait3A_146 = arith.constant 0 : i32
      %dma_wait3A_147 = tpu.memref_slice %arg2[%mul3A_2, %dma_wait3A_146] : memref<1024x200xi32, #tpu.memory_space<hbm>> -> memref<32x200xi32, #tpu.memory_space<hbm>>
      %dma_wait3A_148 = arith.constant 0 : i32
      %dma_wait3A_149 = tpu.memref_slice %arg2[%mul3A_2, %dma_wait3A_148] : memref<1024x200xi32, #tpu.memory_space<hbm>> -> memref<32x200xi32, #tpu.memory_space<hbm>>
      tpu.wait_dma2 semaphore(%run_scoped3A : memref<!tpu.dma_semaphore, #tpu.memory_space<semaphore_mem>>) src(%dma_wait3A_149 : memref<32x200xi32, #tpu.memory_space<hbm>>) dst(%arg6 : memref<32x200xi32, #tpu.memory_space<vmem>>)
      tpu.yield
    }) : () -> ()
    "tpu.region"() ({
      %run_scoped3A = tpu.sem_alloc : memref<!tpu.dma_semaphore, #tpu.memory_space<semaphore_mem>>
      tpu.enqueue_dma source(%arg4 : memref<200x64xf32, #tpu.memory_space<hbm>>) target(%arg7 : memref<200x64xf32, #tpu.memory_space<vmem>>) target_semaphore(%run_scoped3A : memref<!tpu.dma_semaphore, #tpu.memory_space<semaphore_mem>>)
      tpu.wait_dma2 semaphore(%run_scoped3A : memref<!tpu.dma_semaphore, #tpu.memory_space<semaphore_mem>>) src(%arg4 : memref<200x64xf32, #tpu.memory_space<hbm>>) dst(%arg7 : memref<200x64xf32, #tpu.memory_space<vmem>>)
      tpu.yield
    }) : () -> ()
    %dma_start3A = arith.constant 0 : i32
    %dma_start3A_3 = arith.constant 0 : i32
    %dma_start3A_4 = arith.constant 0 : i32
    %dma_start3A_5 = arith.constant 0 : i32
    %dma_start3A_6 = arith.constant 0 : i32
    %dma_start3A_7 = tpu.memref_slice %arg8[%dma_start3A_3, %dma_start3A_5, %dma_start3A_6] : memref<8x200x64xf32, #tpu.memory_space<vmem>> -> memref<1x200x64xf32, #tpu.memory_space<vmem>>
    %dma_start3A_8 = tpu.memref_squeeze %dma_start3A_7 : memref<1x200x64xf32, #tpu.memory_space<vmem>> -> memref<200x64xf32, #tpu.memory_space<vmem>>
    %dma_start3A_9 = arith.constant 0 : i32
    %dma_start3A_10 = tpu.memref_slice %arg6[%dma_start3A, %dma_start3A_9] : memref<32x200xi32, #tpu.memory_space<vmem>> -> memref<1x200xi32, #tpu.memory_space<vmem>>
    %dma_start3A_11 = tpu.memref_squeeze %dma_start3A_10 : memref<1x200xi32, #tpu.memory_space<vmem>> -> memref<200xi32, #tpu.memory_space<vmem>>
    %dma_start3A_12 = arith.constant 0 : i32
    %dma_start3A_13 = arith.constant 0 : i32
    %dma_start3A_14 = tpu.memref_slice %arg3[%dma_start3A_12, %dma_start3A_13] : memref<1000000x64xf32, #tpu.memory_space<hbm>> -> memref<1000000x64xf32, #tpu.memory_space<hbm>>
    %dma_start3A_15 = tpu.memref_slice %arg9[%dma_start3A_4] : memref<8x!tpu.dma_semaphore, #tpu.memory_space<semaphore_mem>> -> memref<1x!tpu.dma_semaphore, #tpu.memory_space<semaphore_mem>>
    %dma_start3A_16 = tpu.memref_squeeze %dma_start3A_15 : memref<1x!tpu.dma_semaphore, #tpu.memory_space<semaphore_mem>> -> memref<!tpu.dma_semaphore, #tpu.memory_space<semaphore_mem>>
    tpu.enqueue_indirect_dma source(%dma_start3A_14 : memref<1000000x64xf32, #tpu.memory_space<hbm>>) target(%dma_start3A_8 : memref<200x64xf32, #tpu.memory_space<vmem>>) offsets(%dma_start3A_11 : memref<200xi32, #tpu.memory_space<vmem>>) semaphore(%dma_start3A_16 : memref<!tpu.dma_semaphore, #tpu.memory_space<semaphore_mem>>)
    %dma_start3A_17 = arith.constant 1 : i32
    %dma_start3A_18 = arith.constant 1 : i32
    %dma_start3A_19 = arith.constant 1 : i32
    %dma_start3A_20 = arith.constant 0 : i32
    %dma_start3A_21 = arith.constant 0 : i32
    %dma_start3A_22 = tpu.memref_slice %arg8[%dma_start3A_18, %dma_start3A_20, %dma_start3A_21] : memref<8x200x64xf32, #tpu.memory_space<vmem>> -> memref<1x200x64xf32, #tpu.memory_space<vmem>>
    %dma_start3A_23 = tpu.memref_squeeze %dma_start3A_22 : memref<1x200x64xf32, #tpu.memory_space<vmem>> -> memref<200x64xf32, #tpu.memory_space<vmem>>
    %dma_start3A_24 = arith.constant 0 : i32
    %dma_start3A_25 = tpu.memref_slice %arg6[%dma_start3A_17, %dma_start3A_24] : memref<32x200xi32, #tpu.memory_space<vmem>> -> memref<1x200xi32, #tpu.memory_space<vmem>>
    %dma_start3A_26 = tpu.memref_squeeze %dma_start3A_25 : memref<1x200xi32, #tpu.memory_space<vmem>> -> memref<200xi32, #tpu.memory_space<vmem>>
    %dma_start3A_27 = arith.constant 0 : i32
    %dma_start3A_28 = arith.constant 0 : i32
    %dma_start3A_29 = tpu.memref_slice %arg3[%dma_start3A_27, %dma_start3A_28] : memref<1000000x64xf32, #tpu.memory_space<hbm>> -> memref<1000000x64xf32, #tpu.memory_space<hbm>>
    %dma_start3A_30 = tpu.memref_slice %arg9[%dma_start3A_19] : memref<8x!tpu.dma_semaphore, #tpu.memory_space<semaphore_mem>> -> memref<1x!tpu.dma_semaphore, #tpu.memory_space<semaphore_mem>>
    %dma_start3A_31 = tpu.memref_squeeze %dma_start3A_30 : memref<1x!tpu.dma_semaphore, #tpu.memory_space<semaphore_mem>> -> memref<!tpu.dma_semaphore, #tpu.memory_space<semaphore_mem>>
    tpu.enqueue_indirect_dma source(%dma_start3A_29 : memref<1000000x64xf32, #tpu.memory_space<hbm>>) target(%dma_start3A_23 : memref<200x64xf32, #tpu.memory_space<vmem>>) offsets(%dma_start3A_26 : memref<200xi32, #tpu.memory_space<vmem>>) semaphore(%dma_start3A_31 : memref<!tpu.dma_semaphore, #tpu.memory_space<semaphore_mem>>)
    %dma_start3A_32 = arith.constant 2 : i32
    %dma_start3A_33 = arith.constant 2 : i32
    %dma_start3A_34 = arith.constant 2 : i32
    %dma_start3A_35 = arith.constant 0 : i32
    %dma_start3A_36 = arith.constant 0 : i32
    %dma_start3A_37 = tpu.memref_slice %arg8[%dma_start3A_33, %dma_start3A_35, %dma_start3A_36] : memref<8x200x64xf32, #tpu.memory_space<vmem>> -> memref<1x200x64xf32, #tpu.memory_space<vmem>>
    %dma_start3A_38 = tpu.memref_squeeze %dma_start3A_37 : memref<1x200x64xf32, #tpu.memory_space<vmem>> -> memref<200x64xf32, #tpu.memory_space<vmem>>
    %dma_start3A_39 = arith.constant 0 : i32
    %dma_start3A_40 = tpu.memref_slice %arg6[%dma_start3A_32, %dma_start3A_39] : memref<32x200xi32, #tpu.memory_space<vmem>> -> memref<1x200xi32, #tpu.memory_space<vmem>>
    %dma_start3A_41 = tpu.memref_squeeze %dma_start3A_40 : memref<1x200xi32, #tpu.memory_space<vmem>> -> memref<200xi32, #tpu.memory_space<vmem>>
    %dma_start3A_42 = arith.constant 0 : i32
    %dma_start3A_43 = arith.constant 0 : i32
    %dma_start3A_44 = tpu.memref_slice %arg3[%dma_start3A_42, %dma_start3A_43] : memref<1000000x64xf32, #tpu.memory_space<hbm>> -> memref<1000000x64xf32, #tpu.memory_space<hbm>>
    %dma_start3A_45 = tpu.memref_slice %arg9[%dma_start3A_34] : memref<8x!tpu.dma_semaphore, #tpu.memory_space<semaphore_mem>> -> memref<1x!tpu.dma_semaphore, #tpu.memory_space<semaphore_mem>>
    %dma_start3A_46 = tpu.memref_squeeze %dma_start3A_45 : memref<1x!tpu.dma_semaphore, #tpu.memory_space<semaphore_mem>> -> memref<!tpu.dma_semaphore, #tpu.memory_space<semaphore_mem>>
    tpu.enqueue_indirect_dma source(%dma_start3A_44 : memref<1000000x64xf32, #tpu.memory_space<hbm>>) target(%dma_start3A_38 : memref<200x64xf32, #tpu.memory_space<vmem>>) offsets(%dma_start3A_41 : memref<200xi32, #tpu.memory_space<vmem>>) semaphore(%dma_start3A_46 : memref<!tpu.dma_semaphore, #tpu.memory_space<semaphore_mem>>)
    %dma_start3A_47 = arith.constant 3 : i32
    %dma_start3A_48 = arith.constant 3 : i32
    %dma_start3A_49 = arith.constant 3 : i32
    %dma_start3A_50 = arith.constant 0 : i32
    %dma_start3A_51 = arith.constant 0 : i32
    %dma_start3A_52 = tpu.memref_slice %arg8[%dma_start3A_48, %dma_start3A_50, %dma_start3A_51] : memref<8x200x64xf32, #tpu.memory_space<vmem>> -> memref<1x200x64xf32, #tpu.memory_space<vmem>>
    %dma_start3A_53 = tpu.memref_squeeze %dma_start3A_52 : memref<1x200x64xf32, #tpu.memory_space<vmem>> -> memref<200x64xf32, #tpu.memory_space<vmem>>
    %dma_start3A_54 = arith.constant 0 : i32
    %dma_start3A_55 = tpu.memref_slice %arg6[%dma_start3A_47, %dma_start3A_54] : memref<32x200xi32, #tpu.memory_space<vmem>> -> memref<1x200xi32, #tpu.memory_space<vmem>>
    %dma_start3A_56 = tpu.memref_squeeze %dma_start3A_55 : memref<1x200xi32, #tpu.memory_space<vmem>> -> memref<200xi32, #tpu.memory_space<vmem>>
    %dma_start3A_57 = arith.constant 0 : i32
    %dma_start3A_58 = arith.constant 0 : i32
    %dma_start3A_59 = tpu.memref_slice %arg3[%dma_start3A_57, %dma_start3A_58] : memref<1000000x64xf32, #tpu.memory_space<hbm>> -> memref<1000000x64xf32, #tpu.memory_space<hbm>>
    %dma_start3A_60 = tpu.memref_slice %arg9[%dma_start3A_49] : memref<8x!tpu.dma_semaphore, #tpu.memory_space<semaphore_mem>> -> memref<1x!tpu.dma_semaphore, #tpu.memory_space<semaphore_mem>>
    %dma_start3A_61 = tpu.memref_squeeze %dma_start3A_60 : memref<1x!tpu.dma_semaphore, #tpu.memory_space<semaphore_mem>> -> memref<!tpu.dma_semaphore, #tpu.memory_space<semaphore_mem>>
    tpu.enqueue_indirect_dma source(%dma_start3A_59 : memref<1000000x64xf32, #tpu.memory_space<hbm>>) target(%dma_start3A_53 : memref<200x64xf32, #tpu.memory_space<vmem>>) offsets(%dma_start3A_56 : memref<200xi32, #tpu.memory_space<vmem>>) semaphore(%dma_start3A_61 : memref<!tpu.dma_semaphore, #tpu.memory_space<semaphore_mem>>)
    %dma_start3A_62 = arith.constant 4 : i32
    %dma_start3A_63 = arith.constant 4 : i32
    %dma_start3A_64 = arith.constant 4 : i32
    %dma_start3A_65 = arith.constant 0 : i32
    %dma_start3A_66 = arith.constant 0 : i32
    %dma_start3A_67 = tpu.memref_slice %arg8[%dma_start3A_63, %dma_start3A_65, %dma_start3A_66] : memref<8x200x64xf32, #tpu.memory_space<vmem>> -> memref<1x200x64xf32, #tpu.memory_space<vmem>>
    %dma_start3A_68 = tpu.memref_squeeze %dma_start3A_67 : memref<1x200x64xf32, #tpu.memory_space<vmem>> -> memref<200x64xf32, #tpu.memory_space<vmem>>
    %dma_start3A_69 = arith.constant 0 : i32
    %dma_start3A_70 = tpu.memref_slice %arg6[%dma_start3A_62, %dma_start3A_69] : memref<32x200xi32, #tpu.memory_space<vmem>> -> memref<1x200xi32, #tpu.memory_space<vmem>>
    %dma_start3A_71 = tpu.memref_squeeze %dma_start3A_70 : memref<1x200xi32, #tpu.memory_space<vmem>> -> memref<200xi32, #tpu.memory_space<vmem>>
    %dma_start3A_72 = arith.constant 0 : i32
    %dma_start3A_73 = arith.constant 0 : i32
    %dma_start3A_74 = tpu.memref_slice %arg3[%dma_start3A_72, %dma_start3A_73] : memref<1000000x64xf32, #tpu.memory_space<hbm>> -> memref<1000000x64xf32, #tpu.memory_space<hbm>>
    %dma_start3A_75 = tpu.memref_slice %arg9[%dma_start3A_64] : memref<8x!tpu.dma_semaphore, #tpu.memory_space<semaphore_mem>> -> memref<1x!tpu.dma_semaphore, #tpu.memory_space<semaphore_mem>>
    %dma_start3A_76 = tpu.memref_squeeze %dma_start3A_75 : memref<1x!tpu.dma_semaphore, #tpu.memory_space<semaphore_mem>> -> memref<!tpu.dma_semaphore, #tpu.memory_space<semaphore_mem>>
    tpu.enqueue_indirect_dma source(%dma_start3A_74 : memref<1000000x64xf32, #tpu.memory_space<hbm>>) target(%dma_start3A_68 : memref<200x64xf32, #tpu.memory_space<vmem>>) offsets(%dma_start3A_71 : memref<200xi32, #tpu.memory_space<vmem>>) semaphore(%dma_start3A_76 : memref<!tpu.dma_semaphore, #tpu.memory_space<semaphore_mem>>)
    %scan3A = arith.constant 0 : i32
    %scan3A_77 = arith.constant 0 : i32
    %scan3A_78 = arith.constant 32 : i32
    %scan3A_79 = arith.addi %scan3A_77, %scan3A_78 : i32
    %scan3A_80 = arith.constant 1 : i32
    %scan3A_81 = scf.for %scan3A_142 = %scan3A_77 to %scan3A_79 step %scan3A_80 iter_args(%scan3A_143 = %scan3A) -> (i32)  : i32 {
      %rem3A = arith.constant 8 : i32
      %rem3A_144 = arith.remsi %scan3A_142, %rem3A : i32
      %add3A_145 = arith.constant 5 : i32
      %add3A_146 = arith.addi %scan3A_142, %add3A_145 : i32
      %rem3A_147 = arith.constant 8 : i32
      %rem3A_148 = arith.remsi %add3A_146, %rem3A_147 : i32
      %ge3A = arith.constant 3 : i32
      %ge3A_149 = arith.cmpi sge, %scan3A_142, %ge3A : i32
      %convert_element_type3A = arith.extui %ge3A_149 : i1 to i32
      %cond3A = arith.constant 0 : i32
      %cond3A_150 = arith.cmpi ne, %convert_element_type3A, %cond3A : i32
      scf.if %cond3A_150 {
        %dma_wait3A_195 = arith.constant 0 : i32
        %dma_wait3A_196 = arith.constant 0 : i32
        %dma_wait3A_197 = tpu.memref_slice %arg8[%rem3A_148, %dma_wait3A_195, %dma_wait3A_196] : memref<8x200x64xf32, #tpu.memory_space<vmem>> -> memref<1x200x64xf32, #tpu.memory_space<vmem>>
        %dma_wait3A_198 = tpu.memref_squeeze %dma_wait3A_197 : memref<1x200x64xf32, #tpu.memory_space<vmem>> -> memref<200x64xf32, #tpu.memory_space<vmem>>
        %dma_wait3A_199 = arith.constant 0 : i32
        %dma_wait3A_200 = arith.constant 0 : i32
        %dma_wait3A_201 = tpu.memref_slice %arg5[%mul3A_2, %dma_wait3A_199, %dma_wait3A_200] : memref<1024x200x64xf32, #tpu.memory_space<hbm>> -> memref<1x200x64xf32, #tpu.memory_space<hbm>>
        %dma_wait3A_202 = tpu.memref_squeeze %dma_wait3A_201 : memref<1x200x64xf32, #tpu.memory_space<hbm>> -> memref<200x64xf32, #tpu.memory_space<hbm>>
        %dma_wait3A_203 = tpu.memref_slice %arg10[%rem3A_148] : memref<8x!tpu.dma_semaphore, #tpu.memory_space<semaphore_mem>> -> memref<1x!tpu.dma_semaphore, #tpu.memory_space<semaphore_mem>>
        %dma_wait3A_204 = tpu.memref_squeeze %dma_wait3A_203 : memref<1x!tpu.dma_semaphore, #tpu.memory_space<semaphore_mem>> -> memref<!tpu.dma_semaphore, #tpu.memory_space<semaphore_mem>>
        %dma_wait3A_205 = arith.constant 0 : i32
        %dma_wait3A_206 = arith.constant 0 : i32
        %dma_wait3A_207 = tpu.memref_slice %arg5[%mul3A_2, %dma_wait3A_205, %dma_wait3A_206] : memref<1024x200x64xf32, #tpu.memory_space<hbm>> -> memref<1x200x64xf32, #tpu.memory_space<hbm>>
        %dma_wait3A_208 = tpu.memref_squeeze %dma_wait3A_207 : memref<1x200x64xf32, #tpu.memory_space<hbm>> -> memref<200x64xf32, #tpu.memory_space<hbm>>
        %dma_wait3A_209 = arith.constant 0 : i32
        %dma_wait3A_210 = arith.constant 0 : i32
        %dma_wait3A_211 = tpu.memref_slice %arg8[%rem3A_148, %dma_wait3A_209, %dma_wait3A_210] : memref<8x200x64xf32, #tpu.memory_space<vmem>> -> memref<1x200x64xf32, #tpu.memory_space<vmem>>
        %dma_wait3A_212 = tpu.memref_squeeze %dma_wait3A_211 : memref<1x200x64xf32, #tpu.memory_space<vmem>> -> memref<200x64xf32, #tpu.memory_space<vmem>>
        tpu.wait_dma2 semaphore(%dma_wait3A_204 : memref<!tpu.dma_semaphore, #tpu.memory_space<semaphore_mem>>) src(%dma_wait3A_212 : memref<200x64xf32, #tpu.memory_space<vmem>>) dst(%dma_wait3A_208 : memref<200x64xf32, #tpu.memory_space<hbm>>)
      } else {
      }
      %lt3A = arith.constant 32 : i32
      %lt3A_151 = arith.cmpi slt, %add3A_146, %lt3A : i32
      %convert_element_type3A_152 = arith.extui %lt3A_151 : i1 to i32
      %cond3A_153 = arith.constant 0 : i32
      %cond3A_154 = arith.cmpi ne, %convert_element_type3A_152, %cond3A_153 : i32
      scf.if %cond3A_154 {
        %dma_start3A_195 = arith.constant 0 : i32
        %dma_start3A_196 = arith.constant 0 : i32
        %dma_start3A_197 = tpu.memref_slice %arg8[%rem3A_148, %dma_start3A_195, %dma_start3A_196] : memref<8x200x64xf32, #tpu.memory_space<vmem>> -> memref<1x200x64xf32, #tpu.memory_space<vmem>>
        %dma_start3A_198 = tpu.memref_squeeze %dma_start3A_197 : memref<1x200x64xf32, #tpu.memory_space<vmem>> -> memref<200x64xf32, #tpu.memory_space<vmem>>
        %dma_start3A_199 = arith.constant 0 : i32
        %dma_start3A_200 = tpu.memref_slice %arg6[%add3A_146, %dma_start3A_199] : memref<32x200xi32, #tpu.memory_space<vmem>> -> memref<1x200xi32, #tpu.memory_space<vmem>>
        %dma_start3A_201 = tpu.memref_squeeze %dma_start3A_200 : memref<1x200xi32, #tpu.memory_space<vmem>> -> memref<200xi32, #tpu.memory_space<vmem>>
        %dma_start3A_202 = arith.constant 0 : i32
        %dma_start3A_203 = arith.constant 0 : i32
        %dma_start3A_204 = tpu.memref_slice %arg3[%dma_start3A_202, %dma_start3A_203] : memref<1000000x64xf32, #tpu.memory_space<hbm>> -> memref<1000000x64xf32, #tpu.memory_space<hbm>>
        %dma_start3A_205 = tpu.memref_slice %arg9[%rem3A_148] : memref<8x!tpu.dma_semaphore, #tpu.memory_space<semaphore_mem>> -> memref<1x!tpu.dma_semaphore, #tpu.memory_space<semaphore_mem>>
        %dma_start3A_206 = tpu.memref_squeeze %dma_start3A_205 : memref<1x!tpu.dma_semaphore, #tpu.memory_space<semaphore_mem>> -> memref<!tpu.dma_semaphore, #tpu.memory_space<semaphore_mem>>
        tpu.enqueue_indirect_dma source(%dma_start3A_204 : memref<1000000x64xf32, #tpu.memory_space<hbm>>) target(%dma_start3A_198 : memref<200x64xf32, #tpu.memory_space<vmem>>) offsets(%dma_start3A_201 : memref<200xi32, #tpu.memory_space<vmem>>) semaphore(%dma_start3A_206 : memref<!tpu.dma_semaphore, #tpu.memory_space<semaphore_mem>>)
      } else {
      }
      %dma_wait3A_155 = arith.constant 0 : i32
      %dma_wait3A_156 = arith.constant 0 : i32
      %dma_wait3A_157 = arith.constant 0 : i32
      %dma_wait3A_158 = tpu.memref_slice %arg8[%rem3A_144, %dma_wait3A_156, %dma_wait3A_157] : memref<8x200x64xf32, #tpu.memory_space<vmem>> -> memref<1x200x64xf32, #tpu.memory_space<vmem>>
      %dma_wait3A_159 = tpu.memref_squeeze %dma_wait3A_158 : memref<1x200x64xf32, #tpu.memory_space<vmem>> -> memref<200x64xf32, #tpu.memory_space<vmem>>
      %dma_wait3A_160 = arith.constant 0 : i32
      %dma_wait3A_161 = tpu.memref_slice %arg6[%dma_wait3A_155, %dma_wait3A_160] : memref<32x200xi32, #tpu.memory_space<vmem>> -> memref<1x200xi32, #tpu.memory_space<vmem>>
      %dma_wait3A_162 = tpu.memref_squeeze %dma_wait3A_161 : memref<1x200xi32, #tpu.memory_space<vmem>> -> memref<200xi32, #tpu.memory_space<vmem>>
      %dma_wait3A_163 = arith.constant 0 : i32
      %dma_wait3A_164 = arith.constant 0 : i32
      %dma_wait3A_165 = tpu.memref_slice %arg3[%dma_wait3A_163, %dma_wait3A_164] : memref<1000000x64xf32, #tpu.memory_space<hbm>> -> memref<1000000x64xf32, #tpu.memory_space<hbm>>
      %dma_wait3A_166 = tpu.memref_slice %arg9[%rem3A_144] : memref<8x!tpu.dma_semaphore, #tpu.memory_space<semaphore_mem>> -> memref<1x!tpu.dma_semaphore, #tpu.memory_space<semaphore_mem>>
      %dma_wait3A_167 = tpu.memref_squeeze %dma_wait3A_166 : memref<1x!tpu.dma_semaphore, #tpu.memory_space<semaphore_mem>> -> memref<!tpu.dma_semaphore, #tpu.memory_space<semaphore_mem>>
      tpu.wait_indirect_dma semaphore(%dma_wait3A_167 : memref<!tpu.dma_semaphore, #tpu.memory_space<semaphore_mem>>) src(%dma_wait3A_165 : memref<1000000x64xf32, #tpu.memory_space<hbm>>) dst(%dma_wait3A_159 : memref<200x64xf32, #tpu.memory_space<vmem>>)
      %scan3A_168 = arith.constant 0 : i32
      %scan3A_169 = arith.constant 0 : i32
      %scan3A_170 = arith.constant 200 : i32
      %scan3A_171 = arith.addi %scan3A_169, %scan3A_170 : i32
      %scan3A_172 = arith.constant 4 : i32
      %scan3A_173 = scf.for %scan3A_195 = %scan3A_169 to %scan3A_171 step %scan3A_172 iter_args(%scan3A_196 = %scan3A_168) -> (i32)  : i32 {
        %get3A = arith.index_cast %rem3A_144 : i32 to index
        %get3A_197 = arith.index_cast %scan3A_195 : i32 to index
        %get3A_198 = arith.constant 0 : index
        %get3A_199 = tpu.vector_load %arg8[%get3A, %get3A_197, %get3A_198] {strides = array<i32>} : memref<8x200x64xf32, #tpu.memory_space<vmem>>, vector<1x1x16xf32>,
        %get3A_200 = vector.shape_cast %get3A_199 : vector<1x1x16xf32> to vector<16xf32>
        %get3A_201 = arith.index_cast %scan3A_195 : i32 to index
        %get3A_202 = arith.constant 0 : index
        %get3A_203 = tpu.vector_load %arg7[%get3A_201, %get3A_202] {strides = array<i32>} : memref<200x64xf32, #tpu.memory_space<vmem>>, vector<1x16xf32>,
        %get3A_204 = vector.shape_cast %get3A_203 : vector<1x16xf32> to vector<16xf32>
        %add3A_205 = arith.addf %get3A_200, %get3A_204 : vector<16xf32>
        %swap3A = arith.index_cast %rem3A_144 : i32 to index
        %swap3A_206 = arith.index_cast %scan3A_195 : i32 to index
        %swap3A_207 = arith.constant 0 : index
        %swap3A_208 = tpu.vector_load %arg8[%swap3A, %swap3A_206, %swap3A_207] {strides = array<i32>} : memref<8x200x64xf32, #tpu.memory_space<vmem>>, vector<1x1x16xf32>,
        %swap3A_209 = vector.shape_cast %swap3A_208 : vector<1x1x16xf32> to vector<16xf32>
        %swap3A_210 = vector.shape_cast %add3A_205 : vector<16xf32> to vector<1x1x16xf32>
        tpu.vector_store %arg8[%swap3A, %swap3A_206, %swap3A_207], %swap3A_210 {strides = array<i32>} : memref<8x200x64xf32, #tpu.memory_space<vmem>>, vector<1x1x16xf32>,
        %get3A_211 = arith.index_cast %rem3A_144 : i32 to index
        %get3A_212 = arith.index_cast %scan3A_195 : i32 to index
        %get3A_213 = arith.constant 16 : index
        %get3A_214 = tpu.vector_load %arg8[%get3A_211, %get3A_212, %get3A_213] {strides = array<i32>} : memref<8x200x64xf32, #tpu.memory_space<vmem>>, vector<1x1x16xf32>,
        %get3A_215 = vector.shape_cast %get3A_214 : vector<1x1x16xf32> to vector<16xf32>
        %get3A_216 = arith.index_cast %scan3A_195 : i32 to index
        %get3A_217 = arith.constant 16 : index
        %get3A_218 = tpu.vector_load %arg7[%get3A_216, %get3A_217] {strides = array<i32>} : memref<200x64xf32, #tpu.memory_space<vmem>>, vector<1x16xf32>,
        %get3A_219 = vector.shape_cast %get3A_218 : vector<1x16xf32> to vector<16xf32>
        %add3A_220 = arith.addf %get3A_215, %get3A_219 : vector<16xf32>
        %swap3A_221 = arith.index_cast %rem3A_144 : i32 to index
        %swap3A_222 = arith.index_cast %scan3A_195 : i32 to index
        %swap3A_223 = arith.constant 16 : index
        %swap3A_224 = tpu.vector_load %arg8[%swap3A_221, %swap3A_222, %swap3A_223] {strides = array<i32>} : memref<8x200x64xf32, #tpu.memory_space<vmem>>, vector<1x1x16xf32>,
        %swap3A_225 = vector.shape_cast %swap3A_224 : vector<1x1x16xf32> to vector<16xf32>
        %swap3A_226 = vector.shape_cast %add3A_220 : vector<16xf32> to vector<1x1x16xf32>
        tpu.vector_store %arg8[%swap3A_221, %swap3A_222, %swap3A_223], %swap3A_226 {strides = array<i32>} : memref<8x200x64xf32, #tpu.memory_space<vmem>>, vector<1x1x16xf32>,
        %get3A_227 = arith.index_cast %rem3A_144 : i32 to index
        %get3A_228 = arith.index_cast %scan3A_195 : i32 to index
        %get3A_229 = arith.constant 32 : index
        %get3A_230 = tpu.vector_load %arg8[%get3A_227, %get3A_228, %get3A_229] {strides = array<i32>} : memref<8x200x64xf32, #tpu.memory_space<vmem>>, vector<1x1x16xf32>,
        %get3A_231 = vector.shape_cast %get3A_230 : vector<1x1x16xf32> to vector<16xf32>
        %get3A_232 = arith.index_cast %scan3A_195 : i32 to index
        %get3A_233 = arith.constant 32 : index
        %get3A_234 = tpu.vector_load %arg7[%get3A_232, %get3A_233] {strides = array<i32>} : memref<200x64xf32, #tpu.memory_space<vmem>>, vector<1x16xf32>,
        %get3A_235 = vector.shape_cast %get3A_234 : vector<1x16xf32> to vector<16xf32>
        %add3A_236 = arith.addf %get3A_231, %get3A_235 : vector<16xf32>
        %swap3A_237 = arith.index_cast %rem3A_144 : i32 to index
        %swap3A_238 = arith.index_cast %scan3A_195 : i32 to index
        %swap3A_239 = arith.constant 32 : index
        %swap3A_240 = tpu.vector_load %arg8[%swap3A_237, %swap3A_238, %swap3A_239] {strides = array<i32>} : memref<8x200x64xf32, #tpu.memory_space<vmem>>, vector<1x1x16xf32>,
        %swap3A_241 = vector.shape_cast %swap3A_240 : vector<1x1x16xf32> to vector<16xf32>
        %swap3A_242 = vector.shape_cast %add3A_236 : vector<16xf32> to vector<1x1x16xf32>
        tpu.vector_store %arg8[%swap3A_237, %swap3A_238, %swap3A_239], %swap3A_242 {strides = array<i32>} : memref<8x200x64xf32, #tpu.memory_space<vmem>>, vector<1x1x16xf32>,
        %get3A_243 = arith.index_cast %rem3A_144 : i32 to index
        %get3A_244 = arith.index_cast %scan3A_195 : i32 to index
        %get3A_245 = arith.constant 48 : index
        %get3A_246 = tpu.vector_load %arg8[%get3A_243, %get3A_244, %get3A_245] {strides = array<i32>} : memref<8x200x64xf32, #tpu.memory_space<vmem>>, vector<1x1x16xf32>,
        %get3A_247 = vector.shape_cast %get3A_246 : vector<1x1x16xf32> to vector<16xf32>
        %get3A_248 = arith.index_cast %scan3A_195 : i32 to index
        %get3A_249 = arith.constant 48 : index
        %get3A_250 = tpu.vector_load %arg7[%get3A_248, %get3A_249] {strides = array<i32>} : memref<200x64xf32, #tpu.memory_space<vmem>>, vector<1x16xf32>,
        %get3A_251 = vector.shape_cast %get3A_250 : vector<1x16xf32> to vector<16xf32>
        %add3A_252 = arith.addf %get3A_247, %get3A_251 : vector<16xf32>
        %swap3A_253 = arith.index_cast %rem3A_144 : i32 to index
        %swap3A_254 = arith.index_cast %scan3A_195 : i32 to index
        %swap3A_255 = arith.constant 48 : index
        %swap3A_256 = tpu.vector_load %arg8[%swap3A_253, %swap3A_254, %swap3A_255] {strides = array<i32>} : memref<8x200x64xf32, #tpu.memory_space<vmem>>, vector<1x1x16xf32>,
        %swap3A_257 = vector.shape_cast %swap3A_256 : vector<1x1x16xf32> to vector<16xf32>
        %swap3A_258 = vector.shape_cast %add3A_252 : vector<16xf32> to vector<1x1x16xf32>
        tpu.vector_store %arg8[%swap3A_253, %swap3A_254, %swap3A_255], %swap3A_258 {strides = array<i32>} : memref<8x200x64xf32, #tpu.memory_space<vmem>>, vector<1x1x16xf32>,
        %scan3A_259 = arith.constant 0 : i32
        %scan3A_260 = arith.constant 1 : i32
        %scan3A_261 = arith.addi %scan3A_195, %scan3A_260 : i32
        %get3A_262 = arith.index_cast %rem3A_144 : i32 to index
        %get3A_263 = arith.index_cast %scan3A_261 : i32 to index
        %get3A_264 = arith.constant 0 : index
        %get3A_265 = tpu.vector_load %arg8[%get3A_262, %get3A_263, %get3A_264] {strides = array<i32>} : memref<8x200x64xf32, #tpu.memory_space<vmem>>, vector<1x1x16xf32>,
        %get3A_266 = vector.shape_cast %get3A_265 : vector<1x1x16xf32> to vector<16xf32>
        %get3A_267 = arith.index_cast %scan3A_261 : i32 to index
        %get3A_268 = arith.constant 0 : index
        %get3A_269 = tpu.vector_load %arg7[%get3A_267, %get3A_268] {strides = array<i32>} : memref<200x64xf32, #tpu.memory_space<vmem>>, vector<1x16xf32>,
        %get3A_270 = vector.shape_cast %get3A_269 : vector<1x16xf32> to vector<16xf32>
        %add3A_271 = arith.addf %get3A_266, %get3A_270 : vector<16xf32>
        %swap3A_272 = arith.index_cast %rem3A_144 : i32 to index
        %swap3A_273 = arith.index_cast %scan3A_261 : i32 to index
        %swap3A_274 = arith.constant 0 : index
        %swap3A_275 = tpu.vector_load %arg8[%swap3A_272, %swap3A_273, %swap3A_274] {strides = array<i32>} : memref<8x200x64xf32, #tpu.memory_space<vmem>>, vector<1x1x16xf32>,
        %swap3A_276 = vector.shape_cast %swap3A_275 : vector<1x1x16xf32> to vector<16xf32>
        %swap3A_277 = vector.shape_cast %add3A_271 : vector<16xf32> to vector<1x1x16xf32>
        tpu.vector_store %arg8[%swap3A_272, %swap3A_273, %swap3A_274], %swap3A_277 {strides = array<i32>} : memref<8x200x64xf32, #tpu.memory_space<vmem>>, vector<1x1x16xf32>,
        %get3A_278 = arith.index_cast %rem3A_144 : i32 to index
        %get3A_279 = arith.index_cast %scan3A_261 : i32 to index
        %get3A_280 = arith.constant 16 : index
        %get3A_281 = tpu.vector_load %arg8[%get3A_278, %get3A_279, %get3A_280] {strides = array<i32>} : memref<8x200x64xf32, #tpu.memory_space<vmem>>, vector<1x1x16xf32>,
        %get3A_282 = vector.shape_cast %get3A_281 : vector<1x1x16xf32> to vector<16xf32>
        %get3A_283 = arith.index_cast %scan3A_261 : i32 to index
        %get3A_284 = arith.constant 16 : index
        %get3A_285 = tpu.vector_load %arg7[%get3A_283, %get3A_284] {strides = array<i32>} : memref<200x64xf32, #tpu.memory_space<vmem>>, vector<1x16xf32>,
        %get3A_286 = vector.shape_cast %get3A_285 : vector<1x16xf32> to vector<16xf32>
        %add3A_287 = arith.addf %get3A_282, %get3A_286 : vector<16xf32>
        %swap3A_288 = arith.index_cast %rem3A_144 : i32 to index
        %swap3A_289 = arith.index_cast %scan3A_261 : i32 to index
        %swap3A_290 = arith.constant 16 : index
        %swap3A_291 = tpu.vector_load %arg8[%swap3A_288, %swap3A_289, %swap3A_290] {strides = array<i32>} : memref<8x200x64xf32, #tpu.memory_space<vmem>>, vector<1x1x16xf32>,
        %swap3A_292 = vector.shape_cast %swap3A_291 : vector<1x1x16xf32> to vector<16xf32>
        %swap3A_293 = vector.shape_cast %add3A_287 : vector<16xf32> to vector<1x1x16xf32>
        tpu.vector_store %arg8[%swap3A_288, %swap3A_289, %swap3A_290], %swap3A_293 {strides = array<i32>} : memref<8x200x64xf32, #tpu.memory_space<vmem>>, vector<1x1x16xf32>,
        %get3A_294 = arith.index_cast %rem3A_144 : i32 to index
        %get3A_295 = arith.index_cast %scan3A_261 : i32 to index
        %get3A_296 = arith.constant 32 : index
        %get3A_297 = tpu.vector_load %arg8[%get3A_294, %get3A_295, %get3A_296] {strides = array<i32>} : memref<8x200x64xf32, #tpu.memory_space<vmem>>, vector<1x1x16xf32>,
        %get3A_298 = vector.shape_cast %get3A_297 : vector<1x1x16xf32> to vector<16xf32>
        %get3A_299 = arith.index_cast %scan3A_261 : i32 to index
        %get3A_300 = arith.constant 32 : index
        %get3A_301 = tpu.vector_load %arg7[%get3A_299, %get3A_300] {strides = array<i32>} : memref<200x64xf32, #tpu.memory_space<vmem>>, vector<1x16xf32>,
        %get3A_302 = vector.shape_cast %get3A_301 : vector<1x16xf32> to vector<16xf32>
        %add3A_303 = arith.addf %get3A_298, %get3A_302 : vector<16xf32>
        %swap3A_304 = arith.index_cast %rem3A_144 : i32 to index
        %swap3A_305 = arith.index_cast %scan3A_261 : i32 to index
        %swap3A_306 = arith.constant 32 : index
        %swap3A_307 = tpu.vector_load %arg8[%swap3A_304, %swap3A_305, %swap3A_306] {strides = array<i32>} : memref<8x200x64xf32, #tpu.memory_space<vmem>>, vector<1x1x16xf32>,
        %swap3A_308 = vector.shape_cast %swap3A_307 : vector<1x1x16xf32> to vector<16xf32>
        %swap3A_309 = vector.shape_cast %add3A_303 : vector<16xf32> to vector<1x1x16xf32>
        tpu.vector_store %arg8[%swap3A_304, %swap3A_305, %swap3A_306], %swap3A_309 {strides = array<i32>} : memref<8x200x64xf32, #tpu.memory_space<vmem>>, vector<1x1x16xf32>,
        %get3A_310 = arith.index_cast %rem3A_144 : i32 to index
        %get3A_311 = arith.index_cast %scan3A_261 : i32 to index
        %get3A_312 = arith.constant 48 : index
        %get3A_313 = tpu.vector_load %arg8[%get3A_310, %get3A_311, %get3A_312] {strides = array<i32>} : memref<8x200x64xf32, #tpu.memory_space<vmem>>, vector<1x1x16xf32>,
        %get3A_314 = vector.shape_cast %get3A_313 : vector<1x1x16xf32> to vector<16xf32>
        %get3A_315 = arith.index_cast %scan3A_261 : i32 to index
        %get3A_316 = arith.constant 48 : index
        %get3A_317 = tpu.vector_load %arg7[%get3A_315, %get3A_316] {strides = array<i32>} : memref<200x64xf32, #tpu.memory_space<vmem>>, vector<1x16xf32>,
        %get3A_318 = vector.shape_cast %get3A_317 : vector<1x16xf32> to vector<16xf32>
        %add3A_319 = arith.addf %get3A_314, %get3A_318 : vector<16xf32>
        %swap3A_320 = arith.index_cast %rem3A_144 : i32 to index
        %swap3A_321 = arith.index_cast %scan3A_261 : i32 to index
        %swap3A_322 = arith.constant 48 : index
        %swap3A_323 = tpu.vector_load %arg8[%swap3A_320, %swap3A_321, %swap3A_322] {strides = array<i32>} : memref<8x200x64xf32, #tpu.memory_space<vmem>>, vector<1x1x16xf32>,
        %swap3A_324 = vector.shape_cast %swap3A_323 : vector<1x1x16xf32> to vector<16xf32>
        %swap3A_325 = vector.shape_cast %add3A_319 : vector<16xf32> to vector<1x1x16xf32>
        tpu.vector_store %arg8[%swap3A_320, %swap3A_321, %swap3A_322], %swap3A_325 {strides = array<i32>} : memref<8x200x64xf32, #tpu.memory_space<vmem>>, vector<1x1x16xf32>,
        %scan3A_326 = arith.constant 0 : i32
        %scan3A_327 = arith.constant 2 : i32
        %scan3A_328 = arith.addi %scan3A_195, %scan3A_327 : i32
        %get3A_329 = arith.index_cast %rem3A_144 : i32 to index
        %get3A_330 = arith.index_cast %scan3A_328 : i32 to index
        %get3A_331 = arith.constant 0 : index
        %get3A_332 = tpu.vector_load %arg8[%get3A_329, %get3A_330, %get3A_331] {strides = array<i32>} : memref<8x200x64xf32, #tpu.memory_space<vmem>>, vector<1x1x16xf32>,
        %get3A_333 = vector.shape_cast %get3A_332 : vector<1x1x16xf32> to vector<16xf32>
        %get3A_334 = arith.index_cast %scan3A_328 : i32 to index
        %get3A_335 = arith.constant 0 : index
        %get3A_336 = tpu.vector_load %arg7[%get3A_334, %get3A_335] {strides = array<i32>} : memref<200x64xf32, #tpu.memory_space<vmem>>, vector<1x16xf32>,
        %get3A_337 = vector.shape_cast %get3A_336 : vector<1x16xf32> to vector<16xf32>
        %add3A_338 = arith.addf %get3A_333, %get3A_337 : vector<16xf32>
        %swap3A_339 = arith.index_cast %rem3A_144 : i32 to index
        %swap3A_340 = arith.index_cast %scan3A_328 : i32 to index
        %swap3A_341 = arith.constant 0 : index
        %swap3A_342 = tpu.vector_load %arg8[%swap3A_339, %swap3A_340, %swap3A_341] {strides = array<i32>} : memref<8x200x64xf32, #tpu.memory_space<vmem>>, vector<1x1x16xf32>,
        %swap3A_343 = vector.shape_cast %swap3A_342 : vector<1x1x16xf32> to vector<16xf32>
        %swap3A_344 = vector.shape_cast %add3A_338 : vector<16xf32> to vector<1x1x16xf32>
        tpu.vector_store %arg8[%swap3A_339, %swap3A_340, %swap3A_341], %swap3A_344 {strides = array<i32>} : memref<8x200x64xf32, #tpu.memory_space<vmem>>, vector<1x1x16xf32>,
        %get3A_345 = arith.index_cast %rem3A_144 : i32 to index
        %get3A_346 = arith.index_cast %scan3A_328 : i32 to index
        %get3A_347 = arith.constant 16 : index
        %get3A_348 = tpu.vector_load %arg8[%get3A_345, %get3A_346, %get3A_347] {strides = array<i32>} : memref<8x200x64xf32, #tpu.memory_space<vmem>>, vector<1x1x16xf32>,
        %get3A_349 = vector.shape_cast %get3A_348 : vector<1x1x16xf32> to vector<16xf32>
        %get3A_350 = arith.index_cast %scan3A_328 : i32 to index
        %get3A_351 = arith.constant 16 : index
        %get3A_352 = tpu.vector_load %arg7[%get3A_350, %get3A_351] {strides = array<i32>} : memref<200x64xf32, #tpu.memory_space<vmem>>, vector<1x16xf32>,
        %get3A_353 = vector.shape_cast %get3A_352 : vector<1x16xf32> to vector<16xf32>
        %add3A_354 = arith.addf %get3A_349, %get3A_353 : vector<16xf32>
        %swap3A_355 = arith.index_cast %rem3A_144 : i32 to index
        %swap3A_356 = arith.index_cast %scan3A_328 : i32 to index
        %swap3A_357 = arith.constant 16 : index
        %swap3A_358 = tpu.vector_load %arg8[%swap3A_355, %swap3A_356, %swap3A_357] {strides = array<i32>} : memref<8x200x64xf32, #tpu.memory_space<vmem>>, vector<1x1x16xf32>,
        %swap3A_359 = vector.shape_cast %swap3A_358 : vector<1x1x16xf32> to vector<16xf32>
        %swap3A_360 = vector.shape_cast %add3A_354 : vector<16xf32> to vector<1x1x16xf32>
        tpu.vector_store %arg8[%swap3A_355, %swap3A_356, %swap3A_357], %swap3A_360 {strides = array<i32>} : memref<8x200x64xf32, #tpu.memory_space<vmem>>, vector<1x1x16xf32>,
        %get3A_361 = arith.index_cast %rem3A_144 : i32 to index
        %get3A_362 = arith.index_cast %scan3A_328 : i32 to index
        %get3A_363 = arith.constant 32 : index
        %get3A_364 = tpu.vector_load %arg8[%get3A_361, %get3A_362, %get3A_363] {strides = array<i32>} : memref<8x200x64xf32, #tpu.memory_space<vmem>>, vector<1x1x16xf32>,
        %get3A_365 = vector.shape_cast %get3A_364 : vector<1x1x16xf32> to vector<16xf32>
        %get3A_366 = arith.index_cast %scan3A_328 : i32 to index
        %get3A_367 = arith.constant 32 : index
        %get3A_368 = tpu.vector_load %arg7[%get3A_366, %get3A_367] {strides = array<i32>} : memref<200x64xf32, #tpu.memory_space<vmem>>, vector<1x16xf32>,
        %get3A_369 = vector.shape_cast %get3A_368 : vector<1x16xf32> to vector<16xf32>
        %add3A_370 = arith.addf %get3A_365, %get3A_369 : vector<16xf32>
        %swap3A_371 = arith.index_cast %rem3A_144 : i32 to index
        %swap3A_372 = arith.index_cast %scan3A_328 : i32 to index
        %swap3A_373 = arith.constant 32 : index
        %swap3A_374 = tpu.vector_load %arg8[%swap3A_371, %swap3A_372, %swap3A_373] {strides = array<i32>} : memref<8x200x64xf32, #tpu.memory_space<vmem>>, vector<1x1x16xf32>,
        %swap3A_375 = vector.shape_cast %swap3A_374 : vector<1x1x16xf32> to vector<16xf32>
        %swap3A_376 = vector.shape_cast %add3A_370 : vector<16xf32> to vector<1x1x16xf32>
        tpu.vector_store %arg8[%swap3A_371, %swap3A_372, %swap3A_373], %swap3A_376 {strides = array<i32>} : memref<8x200x64xf32, #tpu.memory_space<vmem>>, vector<1x1x16xf32>,
        %get3A_377 = arith.index_cast %rem3A_144 : i32 to index
        %get3A_378 = arith.index_cast %scan3A_328 : i32 to index
        %get3A_379 = arith.constant 48 : index
        %get3A_380 = tpu.vector_load %arg8[%get3A_377, %get3A_378, %get3A_379] {strides = array<i32>} : memref<8x200x64xf32, #tpu.memory_space<vmem>>, vector<1x1x16xf32>,
        %get3A_381 = vector.shape_cast %get3A_380 : vector<1x1x16xf32> to vector<16xf32>
        %get3A_382 = arith.index_cast %scan3A_328 : i32 to index
        %get3A_383 = arith.constant 48 : index
        %get3A_384 = tpu.vector_load %arg7[%get3A_382, %get3A_383] {strides = array<i32>} : memref<200x64xf32, #tpu.memory_space<vmem>>, vector<1x16xf32>,
        %get3A_385 = vector.shape_cast %get3A_384 : vector<1x16xf32> to vector<16xf32>
        %add3A_386 = arith.addf %get3A_381, %get3A_385 : vector<16xf32>
        %swap3A_387 = arith.index_cast %rem3A_144 : i32 to index
        %swap3A_388 = arith.index_cast %scan3A_328 : i32 to index
        %swap3A_389 = arith.constant 48 : index
        %swap3A_390 = tpu.vector_load %arg8[%swap3A_387, %swap3A_388, %swap3A_389] {strides = array<i32>} : memref<8x200x64xf32, #tpu.memory_space<vmem>>, vector<1x1x16xf32>,
        %swap3A_391 = vector.shape_cast %swap3A_390 : vector<1x1x16xf32> to vector<16xf32>
        %swap3A_392 = vector.shape_cast %add3A_386 : vector<16xf32> to vector<1x1x16xf32>
        tpu.vector_store %arg8[%swap3A_387, %swap3A_388, %swap3A_389], %swap3A_392 {strides = array<i32>} : memref<8x200x64xf32, #tpu.memory_space<vmem>>, vector<1x1x16xf32>,
        %scan3A_393 = arith.constant 0 : i32
        %scan3A_394 = arith.constant 3 : i32
        %scan3A_395 = arith.addi %scan3A_195, %scan3A_394 : i32
        %get3A_396 = arith.index_cast %rem3A_144 : i32 to index
        %get3A_397 = arith.index_cast %scan3A_395 : i32 to index
        %get3A_398 = arith.constant 0 : index
        %get3A_399 = tpu.vector_load %arg8[%get3A_396, %get3A_397, %get3A_398] {strides = array<i32>} : memref<8x200x64xf32, #tpu.memory_space<vmem>>, vector<1x1x16xf32>,
        %get3A_400 = vector.shape_cast %get3A_399 : vector<1x1x16xf32> to vector<16xf32>
        %get3A_401 = arith.index_cast %scan3A_395 : i32 to index
        %get3A_402 = arith.constant 0 : index
        %get3A_403 = tpu.vector_load %arg7[%get3A_401, %get3A_402] {strides = array<i32>} : memref<200x64xf32, #tpu.memory_space<vmem>>, vector<1x16xf32>,
        %get3A_404 = vector.shape_cast %get3A_403 : vector<1x16xf32> to vector<16xf32>
        %add3A_405 = arith.addf %get3A_400, %get3A_404 : vector<16xf32>
        %swap3A_406 = arith.index_cast %rem3A_144 : i32 to index
        %swap3A_407 = arith.index_cast %scan3A_395 : i32 to index
        %swap3A_408 = arith.constant 0 : index
        %swap3A_409 = tpu.vector_load %arg8[%swap3A_406, %swap3A_407, %swap3A_408] {strides = array<i32>} : memref<8x200x64xf32, #tpu.memory_space<vmem>>, vector<1x1x16xf32>,
        %swap3A_410 = vector.shape_cast %swap3A_409 : vector<1x1x16xf32> to vector<16xf32>
        %swap3A_411 = vector.shape_cast %add3A_405 : vector<16xf32> to vector<1x1x16xf32>
        tpu.vector_store %arg8[%swap3A_406, %swap3A_407, %swap3A_408], %swap3A_411 {strides = array<i32>} : memref<8x200x64xf32, #tpu.memory_space<vmem>>, vector<1x1x16xf32>,
        %get3A_412 = arith.index_cast %rem3A_144 : i32 to index
        %get3A_413 = arith.index_cast %scan3A_395 : i32 to index
        %get3A_414 = arith.constant 16 : index
        %get3A_415 = tpu.vector_load %arg8[%get3A_412, %get3A_413, %get3A_414] {strides = array<i32>} : memref<8x200x64xf32, #tpu.memory_space<vmem>>, vector<1x1x16xf32>,
        %get3A_416 = vector.shape_cast %get3A_415 : vector<1x1x16xf32> to vector<16xf32>
        %get3A_417 = arith.index_cast %scan3A_395 : i32 to index
        %get3A_418 = arith.constant 16 : index
        %get3A_419 = tpu.vector_load %arg7[%get3A_417, %get3A_418] {strides = array<i32>} : memref<200x64xf32, #tpu.memory_space<vmem>>, vector<1x16xf32>,
        %get3A_420 = vector.shape_cast %get3A_419 : vector<1x16xf32> to vector<16xf32>
        %add3A_421 = arith.addf %get3A_416, %get3A_420 : vector<16xf32>
        %swap3A_422 = arith.index_cast %rem3A_144 : i32 to index
        %swap3A_423 = arith.index_cast %scan3A_395 : i32 to index
        %swap3A_424 = arith.constant 16 : index
        %swap3A_425 = tpu.vector_load %arg8[%swap3A_422, %swap3A_423, %swap3A_424] {strides = array<i32>} : memref<8x200x64xf32, #tpu.memory_space<vmem>>, vector<1x1x16xf32>,
        %swap3A_426 = vector.shape_cast %swap3A_425 : vector<1x1x16xf32> to vector<16xf32>
        %swap3A_427 = vector.shape_cast %add3A_421 : vector<16xf32> to vector<1x1x16xf32>
        tpu.vector_store %arg8[%swap3A_422, %swap3A_423, %swap3A_424], %swap3A_427 {strides = array<i32>} : memref<8x200x64xf32, #tpu.memory_space<vmem>>, vector<1x1x16xf32>,
        %get3A_428 = arith.index_cast %rem3A_144 : i32 to index
        %get3A_429 = arith.index_cast %scan3A_395 : i32 to index
        %get3A_430 = arith.constant 32 : index
        %get3A_431 = tpu.vector_load %arg8[%get3A_428, %get3A_429, %get3A_430] {strides = array<i32>} : memref<8x200x64xf32, #tpu.memory_space<vmem>>, vector<1x1x16xf32>,
        %get3A_432 = vector.shape_cast %get3A_431 : vector<1x1x16xf32> to vector<16xf32>
        %get3A_433 = arith.index_cast %scan3A_395 : i32 to index
        %get3A_434 = arith.constant 32 : index
        %get3A_435 = tpu.vector_load %arg7[%get3A_433, %get3A_434] {strides = array<i32>} : memref<200x64xf32, #tpu.memory_space<vmem>>, vector<1x16xf32>,
        %get3A_436 = vector.shape_cast %get3A_435 : vector<1x16xf32> to vector<16xf32>
        %add3A_437 = arith.addf %get3A_432, %get3A_436 : vector<16xf32>
        %swap3A_438 = arith.index_cast %rem3A_144 : i32 to index
        %swap3A_439 = arith.index_cast %scan3A_395 : i32 to index
        %swap3A_440 = arith.constant 32 : index
        %swap3A_441 = tpu.vector_load %arg8[%swap3A_438, %swap3A_439, %swap3A_440] {strides = array<i32>} : memref<8x200x64xf32, #tpu.memory_space<vmem>>, vector<1x1x16xf32>,
        %swap3A_442 = vector.shape_cast %swap3A_441 : vector<1x1x16xf32> to vector<16xf32>
        %swap3A_443 = vector.shape_cast %add3A_437 : vector<16xf32> to vector<1x1x16xf32>
        tpu.vector_store %arg8[%swap3A_438, %swap3A_439, %swap3A_440], %swap3A_443 {strides = array<i32>} : memref<8x200x64xf32, #tpu.memory_space<vmem>>, vector<1x1x16xf32>,
        %get3A_444 = arith.index_cast %rem3A_144 : i32 to index
        %get3A_445 = arith.index_cast %scan3A_395 : i32 to index
        %get3A_446 = arith.constant 48 : index
        %get3A_447 = tpu.vector_load %arg8[%get3A_444, %get3A_445, %get3A_446] {strides = array<i32>} : memref<8x200x64xf32, #tpu.memory_space<vmem>>, vector<1x1x16xf32>,
        %get3A_448 = vector.shape_cast %get3A_447 : vector<1x1x16xf32> to vector<16xf32>
        %get3A_449 = arith.index_cast %scan3A_395 : i32 to index
        %get3A_450 = arith.constant 48 : index
        %get3A_451 = tpu.vector_load %arg7[%get3A_449, %get3A_450] {strides = array<i32>} : memref<200x64xf32, #tpu.memory_space<vmem>>, vector<1x16xf32>,
        %get3A_452 = vector.shape_cast %get3A_451 : vector<1x16xf32> to vector<16xf32>
        %add3A_453 = arith.addf %get3A_448, %get3A_452 : vector<16xf32>
        %swap3A_454 = arith.index_cast %rem3A_144 : i32 to index
        %swap3A_455 = arith.index_cast %scan3A_395 : i32 to index
        %swap3A_456 = arith.constant 48 : index
        %swap3A_457 = tpu.vector_load %arg8[%swap3A_454, %swap3A_455, %swap3A_456] {strides = array<i32>} : memref<8x200x64xf32, #tpu.memory_space<vmem>>, vector<1x1x16xf32>,
        %swap3A_458 = vector.shape_cast %swap3A_457 : vector<1x1x16xf32> to vector<16xf32>
        %swap3A_459 = vector.shape_cast %add3A_453 : vector<16xf32> to vector<1x1x16xf32>
        tpu.vector_store %arg8[%swap3A_454, %swap3A_455, %swap3A_456], %swap3A_459 {strides = array<i32>} : memref<8x200x64xf32, #tpu.memory_space<vmem>>, vector<1x1x16xf32>,
        %scan3A_460 = arith.constant 0 : i32
        scf.yield %scan3A_460 : i32
      }
      %scan3A_174 = arith.constant 200 : i32
      %add3A_175 = arith.addi %mul3A_2, %scan3A_142 : i32
      %dma_start3A_176 = arith.constant 0 : i32
      %dma_start3A_177 = arith.constant 0 : i32
      %dma_start3A_178 = tpu.memref_slice %arg8[%rem3A_144, %dma_start3A_176, %dma_start3A_177] : memref<8x200x64xf32, #tpu.memory_space<vmem>> -> memref<1x200x64xf32, #tpu.memory_space<vmem>>
      %dma_start3A_179 = tpu.memref_squeeze %dma_start3A_178 : memref<1x200x64xf32, #tpu.memory_space<vmem>> -> memref<200x64xf32, #tpu.memory_space<vmem>>
      %dma_start3A_180 = arith.constant 0 : i32
      %dma_start3A_181 = arith.constant 0 : i32
      %dma_start3A_182 = tpu.memref_slice %arg5[%add3A_175, %dma_start3A_180, %dma_start3A_181] : memref<1024x200x64xf32, #tpu.memory_space<hbm>> -> memref<1x200x64xf32, #tpu.memory_space<hbm>>
      %dma_start3A_183 = tpu.memref_squeeze %dma_start3A_182 : memref<1x200x64xf32, #tpu.memory_space<hbm>> -> memref<200x64xf32, #tpu.memory_space<hbm>>
      %dma_start3A_184 = tpu.memref_slice %arg10[%rem3A_144] : memref<8x!tpu.dma_semaphore, #tpu.memory_space<semaphore_mem>> -> memref<1x!tpu.dma_semaphore, #tpu.memory_space<semaphore_mem>>
      %dma_start3A_185 = tpu.memref_squeeze %dma_start3A_184 : memref<1x!tpu.dma_semaphore, #tpu.memory_space<semaphore_mem>> -> memref<!tpu.dma_semaphore, #tpu.memory_space<semaphore_mem>>
      %dma_start3A_186 = arith.constant 0 : i32
      %dma_start3A_187 = arith.constant 0 : i32
      %dma_start3A_188 = tpu.memref_slice %arg5[%add3A_175, %dma_start3A_186, %dma_start3A_187] : memref<1024x200x64xf32, #tpu.memory_space<hbm>> -> memref<1x200x64xf32, #tpu.memory_space<hbm>>
      %dma_start3A_189 = tpu.memref_squeeze %dma_start3A_188 : memref<1x200x64xf32, #tpu.memory_space<hbm>> -> memref<200x64xf32, #tpu.memory_space<hbm>>
      %dma_start3A_190 = arith.constant 0 : i32
      %dma_start3A_191 = arith.constant 0 : i32
      %dma_start3A_192 = tpu.memref_slice %arg8[%rem3A_144, %dma_start3A_190, %dma_start3A_191] : memref<8x200x64xf32, #tpu.memory_space<vmem>> -> memref<1x200x64xf32, #tpu.memory_space<vmem>>
      %dma_start3A_193 = tpu.memref_squeeze %dma_start3A_192 : memref<1x200x64xf32, #tpu.memory_space<vmem>> -> memref<200x64xf32, #tpu.memory_space<vmem>>
      tpu.enqueue_dma source(%dma_start3A_193 : memref<200x64xf32, #tpu.memory_space<vmem>>) target(%dma_start3A_189 : memref<200x64xf32, #tpu.memory_space<hbm>>) target_semaphore(%dma_start3A_185 : memref<!tpu.dma_semaphore, #tpu.memory_space<semaphore_mem>>)
      %scan3A_194 = arith.constant 0 : i32
      scf.yield %scan3A_194 : i32
    }
    %scan3A_82 = arith.constant 32 : i32
    %dma_wait3A = arith.constant 5 : i32
    %dma_wait3A_83 = arith.constant 5 : i32
    %dma_wait3A_84 = arith.constant 0 : i32
    %dma_wait3A_85 = arith.constant 0 : i32
    %dma_wait3A_86 = tpu.memref_slice %arg8[%dma_wait3A, %dma_wait3A_84, %dma_wait3A_85] : memref<8x200x64xf32, #tpu.memory_space<vmem>> -> memref<1x200x64xf32, #tpu.memory_space<vmem>>
    %dma_wait3A_87 = tpu.memref_squeeze %dma_wait3A_86 : memref<1x200x64xf32, #tpu.memory_space<vmem>> -> memref<200x64xf32, #tpu.memory_space<vmem>>
    %dma_wait3A_88 = arith.constant 0 : i32
    %dma_wait3A_89 = arith.constant 0 : i32
    %dma_wait3A_90 = tpu.memref_slice %arg5[%mul3A_2, %dma_wait3A_88, %dma_wait3A_89] : memref<1024x200x64xf32, #tpu.memory_space<hbm>> -> memref<1x200x64xf32, #tpu.memory_space<hbm>>
    %dma_wait3A_91 = tpu.memref_squeeze %dma_wait3A_90 : memref<1x200x64xf32, #tpu.memory_space<hbm>> -> memref<200x64xf32, #tpu.memory_space<hbm>>
    %dma_wait3A_92 = tpu.memref_slice %arg10[%dma_wait3A_83] : memref<8x!tpu.dma_semaphore, #tpu.memory_space<semaphore_mem>> -> memref<1x!tpu.dma_semaphore, #tpu.memory_space<semaphore_mem>>
    %dma_wait3A_93 = tpu.memref_squeeze %dma_wait3A_92 : memref<1x!tpu.dma_semaphore, #tpu.memory_space<semaphore_mem>> -> memref<!tpu.dma_semaphore, #tpu.memory_space<semaphore_mem>>
    %dma_wait3A_94 = arith.constant 0 : i32
    %dma_wait3A_95 = arith.constant 0 : i32
    %dma_wait3A_96 = tpu.memref_slice %arg5[%mul3A_2, %dma_wait3A_94, %dma_wait3A_95] : memref<1024x200x64xf32, #tpu.memory_space<hbm>> -> memref<1x200x64xf32, #tpu.memory_space<hbm>>
    %dma_wait3A_97 = tpu.memref_squeeze %dma_wait3A_96 : memref<1x200x64xf32, #tpu.memory_space<hbm>> -> memref<200x64xf32, #tpu.memory_space<hbm>>
    %dma_wait3A_98 = arith.constant 0 : i32
    %dma_wait3A_99 = arith.constant 0 : i32
    %dma_wait3A_100 = tpu.memref_slice %arg8[%dma_wait3A, %dma_wait3A_98, %dma_wait3A_99] : memref<8x200x64xf32, #tpu.memory_space<vmem>> -> memref<1x200x64xf32, #tpu.memory_space<vmem>>
    %dma_wait3A_101 = tpu.memref_squeeze %dma_wait3A_100 : memref<1x200x64xf32, #tpu.memory_space<vmem>> -> memref<200x64xf32, #tpu.memory_space<vmem>>
    tpu.wait_dma2 semaphore(%dma_wait3A_93 : memref<!tpu.dma_semaphore, #tpu.memory_space<semaphore_mem>>) src(%dma_wait3A_101 : memref<200x64xf32, #tpu.memory_space<vmem>>) dst(%dma_wait3A_97 : memref<200x64xf32, #tpu.memory_space<hbm>>)
    %dma_wait3A_102 = arith.constant 6 : i32
    %dma_wait3A_103 = arith.constant 6 : i32
    %dma_wait3A_104 = arith.constant 0 : i32
    %dma_wait3A_105 = arith.constant 0 : i32
    %dma_wait3A_106 = tpu.memref_slice %arg8[%dma_wait3A_102, %dma_wait3A_104, %dma_wait3A_105] : memref<8x200x64xf32, #tpu.memory_space<vmem>> -> memref<1x200x64xf32, #tpu.memory_space<vmem>>
    %dma_wait3A_107 = tpu.memref_squeeze %dma_wait3A_106 : memref<1x200x64xf32, #tpu.memory_space<vmem>> -> memref<200x64xf32, #tpu.memory_space<vmem>>
    %dma_wait3A_108 = arith.constant 0 : i32
    %dma_wait3A_109 = arith.constant 0 : i32
    %dma_wait3A_110 = tpu.memref_slice %arg5[%mul3A_2, %dma_wait3A_108, %dma_wait3A_109] : memref<1024x200x64xf32, #tpu.memory_space<hbm>> -> memref<1x200x64xf32, #tpu.memory_space<hbm>>
    %dma_wait3A_111 = tpu.memref_squeeze %dma_wait3A_110 : memref<1x200x64xf32, #tpu.memory_space<hbm>> -> memref<200x64xf32, #tpu.memory_space<hbm>>
    %dma_wait3A_112 = tpu.memref_slice %arg10[%dma_wait3A_103] : memref<8x!tpu.dma_semaphore, #tpu.memory_space<semaphore_mem>> -> memref<1x!tpu.dma_semaphore, #tpu.memory_space<semaphore_mem>>
    %dma_wait3A_113 = tpu.memref_squeeze %dma_wait3A_112 : memref<1x!tpu.dma_semaphore, #tpu.memory_space<semaphore_mem>> -> memref<!tpu.dma_semaphore, #tpu.memory_space<semaphore_mem>>
    %dma_wait3A_114 = arith.constant 0 : i32
    %dma_wait3A_115 = arith.constant 0 : i32
    %dma_wait3A_116 = tpu.memref_slice %arg5[%mul3A_2, %dma_wait3A_114, %dma_wait3A_115] : memref<1024x200x64xf32, #tpu.memory_space<hbm>> -> memref<1x200x64xf32, #tpu.memory_space<hbm>>
    %dma_wait3A_117 = tpu.memref_squeeze %dma_wait3A_116 : memref<1x200x64xf32, #tpu.memory_space<hbm>> -> memref<200x64xf32, #tpu.memory_space<hbm>>
    %dma_wait3A_118 = arith.constant 0 : i32
    %dma_wait3A_119 = arith.constant 0 : i32
    %dma_wait3A_120 = tpu.memref_slice %arg8[%dma_wait3A_102, %dma_wait3A_118, %dma_wait3A_119] : memref<8x200x64xf32, #tpu.memory_space<vmem>> -> memref<1x200x64xf32, #tpu.memory_space<vmem>>
    %dma_wait3A_121 = tpu.memref_squeeze %dma_wait3A_120 : memref<1x200x64xf32, #tpu.memory_space<vmem>> -> memref<200x64xf32, #tpu.memory_space<vmem>>
    tpu.wait_dma2 semaphore(%dma_wait3A_113 : memref<!tpu.dma_semaphore, #tpu.memory_space<semaphore_mem>>) src(%dma_wait3A_121 : memref<200x64xf32, #tpu.memory_space<vmem>>) dst(%dma_wait3A_117 : memref<200x64xf32, #tpu.memory_space<hbm>>)
    %dma_wait3A_122 = arith.constant 7 : i32
    %dma_wait3A_123 = arith.constant 7 : i32
    %dma_wait3A_124 = arith.constant 0 : i32
    %dma_wait3A_125 = arith.constant 0 : i32
    %dma_wait3A_126 = tpu.memref_slice %arg8[%dma_wait3A_122, %dma_wait3A_124, %dma_wait3A_125] : memref<8x200x64xf32, #tpu.memory_space<vmem>> -> memref<1x200x64xf32, #tpu.memory_space<vmem>>
    %dma_wait3A_127 = tpu.memref_squeeze %dma_wait3A_126 : memref<1x200x64xf32, #tpu.memory_space<vmem>> -> memref<200x64xf32, #tpu.memory_space<vmem>>
    %dma_wait3A_128 = arith.constant 0 : i32
    %dma_wait3A_129 = arith.constant 0 : i32
    %dma_wait3A_130 = tpu.memref_slice %arg5[%mul3A_2, %dma_wait3A_128, %dma_wait3A_129] : memref<1024x200x64xf32, #tpu.memory_space<hbm>> -> memref<1x200x64xf32, #tpu.memory_space<hbm>>
    %dma_wait3A_131 = tpu.memref_squeeze %dma_wait3A_130 : memref<1x200x64xf32, #tpu.memory_space<hbm>> -> memref<200x64xf32, #tpu.memory_space<hbm>>
    %dma_wait3A_132 = tpu.memref_slice %arg10[%dma_wait3A_123] : memref<8x!tpu.dma_semaphore, #tpu.memory_space<semaphore_mem>> -> memref<1x!tpu.dma_semaphore, #tpu.memory_space<semaphore_mem>>
    %dma_wait3A_133 = tpu.memref_squeeze %dma_wait3A_132 : memref<1x!tpu.dma_semaphore, #tpu.memory_space<semaphore_mem>> -> memref<!tpu.dma_semaphore, #tpu.memory_space<semaphore_mem>>
    %dma_wait3A_134 = arith.constant 0 : i32
    %dma_wait3A_135 = arith.constant 0 : i32
    %dma_wait3A_136 = tpu.memref_slice %arg5[%mul3A_2, %dma_wait3A_134, %dma_wait3A_135] : memref<1024x200x64xf32, #tpu.memory_space<hbm>> -> memref<1x200x64xf32, #tpu.memory_space<hbm>>
    %dma_wait3A_137 = tpu.memref_squeeze %dma_wait3A_136 : memref<1x200x64xf32, #tpu.memory_space<hbm>> -> memref<200x64xf32, #tpu.memory_space<hbm>>
    %dma_wait3A_138 = arith.constant 0 : i32
    %dma_wait3A_139 = arith.constant 0 : i32
    %dma_wait3A_140 = tpu.memref_slice %arg8[%dma_wait3A_122, %dma_wait3A_138, %dma_wait3A_139] : memref<8x200x64xf32, #tpu.memory_space<vmem>> -> memref<1x200x64xf32, #tpu.memory_space<vmem>>
    %dma_wait3A_141 = tpu.memref_squeeze %dma_wait3A_140 : memref<1x200x64xf32, #tpu.memory_space<vmem>> -> memref<200x64xf32, #tpu.memory_space<vmem>>
    tpu.wait_dma2 semaphore(%dma_wait3A_133 : memref<!tpu.dma_semaphore, #tpu.memory_space<semaphore_mem>>) src(%dma_wait3A_141 : memref<200x64xf32, #tpu.memory_space<vmem>>) dst(%dma_wait3A_137 : memref<200x64xf32, #tpu.memory_space<hbm>>)
    return
  }
}

</mosaic_0001>

<sc_bundles>
// kernel: _emb_call.3.cloned.1.call-start
scs
__scs_entry_jumppad:
0x0: {  	(pc) =	sbr.rel $0x88, $3  }
0x1: {  	(tag) =	ssettag $0x0;
	lr =	simm.s32 $0x1  }
0x2: {  	[smem:$0x3F9E] =	sst lr;
	_ =	strace $0xD0000000  }
0x3: {  	_ = 	snop  }
0x4: {  	_ = 	snop  }
0x5: {  	_ = 	snop  }
0x6: {  	_ = 	snop  }
0x7: {  	_ = 	snop  }
__scs_overlays_trampoline_lowered:
0x8: {  	[smem:$0x3FAD] =	sst s0  }
0x9: {  	[smem:$0x3FAE] =	sst s1  }
0xa: {  	[smem:$0x3FAF] =	sst s2  }
0xb: {  	[smem:$0x3FB0] =	sst s3  }
0xc: {  	[smem:$0x3FB1] =	sst s4  }
0xd: {  	[smem:$0x3FB2] =	sst s5  }
0xe: {  	[smem:$0x3FB3] =	sst s6  }
0xf: {  	[smem:$0x3FB4] =	sst s7  }
0x10: {  	[smem:$0x3FB5] =	sst s8  }
0x11: {  	[smem:$0x3FB6] =	sst s9;
	s0 =	simm.s32 @!p0 $0x0  }
0x12: {  	s1 =	sld [smem:$0x3F9C];
	s0 =	simm.s32 @p0 $0x1  }
0x13: {  	[smem:$0x3FB7] =	sst s0;
	s0 =	simm.s32 @!p1 $0x0  }
0x14: {  	s2 =	sld [smem:$0x3F9B];
	s0 =	simm.s32 @p1 $0x1  }
0x15: {  	[smem:$0x3FB8] =	sst s0;
	s0 =	simm.s32 @!p2 $0x0  }
0x16: {  	s3 =	sld [smem:$0x3FDB];
	s0 =	simm.s32 @p2 $0x1  }
0x17: {  	s4 =	simm.s32 $0x1BF5;
	[smem:$0x3FBA] =	sst s0  }
0x18: {  	s0 =	sld [smem:$0x3F9D];
	_ =	swait.ge [sflag:s4], $0x0  }
0x19: {  	s7 =	sld [smem:$0x3F9E]  }
0x1a: {  	s8 =	sadd.s32 $0xFFFFE003, lr  }
0x1b: {  	s9 =	sadd.s32 $0xFFFFFEF7, lr;
	s5 =	simm.s32 $0xFFFFFFFF;
	p2 =	slt.u32 s8, $0xFFFFF086  }
0x1c: {  	p1 =	slt.u32 s9, $0xF7A;
	s5 =	simm.s32 @!p2 $0x0  }
0x1d: {  	s5 =	simm.s32 @p1 $0x1;
	p0 =	seq.s32 s7, s2  }
0x1e: {  	s7 =	smul.u32 @!p0 $0xF7A, s2;
	p2 =	seq.s32 @!p0 s5, $0x0  }
0x1f: {  	s9 =	smul.u32 $0xF7A, s1;
	s8 =	simm.s32 @!p0 $0x1BF5;
	p2 =	por !p2, p0  }
0x20: {  	[sflag:s8] =	ssyncset.s32 @!p0 $0xFFFFF086;
	s6 =	sadd.s32 @!p0 s3, s7;
	s7 =	simm.s32 @!p0 $0x108  }
0x21: {  	s3 =	sadd.s32 s3, s9;
	s6 =	sadd.s32 @!p0 $0x88, s6;
	s7 =	simm.s32 @p2 $0x1082  }
0x22: {  	[simem:s7], [sflag:s8] =	dma.local @!p0 [hbm:s6], $0xF7A  }
0x23: {  	s9 =	sor.u32 $0xD0000000, s2;
	s6 =	simm.s32 $0x108;
	_ =	swait.ge @!p0 [sflag:s8], $0x0  }
0x24: {  	s3 =	sadd.s32 $0x88, s3;
	s6 =	simm.s32 @!p1 $0x1082;
	[sflag:s4] =	ssyncset.s32 $0xFFFFF086  }
0x25: {  	[simem:s6], [sflag:s4] =	dma.local [hbm:s3], $0xF7A  }
0x26: {  	[smem:$0x3F9E] =	sst s1;
	(tag) =	ssettag s2;
	_ =	strace s9  }
0x27: {  	s1 =	sld [smem:$0x3FAE]  }
0x28: {  	s2 =	sld [smem:$0x3FAF]  }
0x29: {  	s4 =	sld [smem:$0x3FB1]  }
0x2a: {  	p0 =	seq.s32 s5, $0x0;
	s5 =	sld [smem:$0x3FB2]  }
0x2b: {  	s6 =	sld [smem:$0x3FB3]  }
0x2c: {  	s7 =	sld [smem:$0x3FB4]  }
0x2d: {  	s3 =	simm.s32 $0x108;
	s8 =	sld [smem:$0x3FB5]  }
0x2e: {  	s3 =	simm.s32 @!p0 $0x1082;
	s9 =	sld [smem:$0x3FB6]  }
0x2f: {  	lr =	sadd.s32 s0, s3;
	s0 =	sld [smem:$0x3FAD]  }
0x30: {  	s3 =	sld [smem:$0x3FB0]  }
0x31: {  	[smem:$0x3FB9] =	sst s10  }
0x32: {  	s10 =	sld [smem:$0x3FB7];
	_ =	sdelay $0x3  }
0x33: {  	p0 =	seq.s32 s10, $0x1;
	s10 =	sld [smem:$0x3FB9];
	_ =	sdelay $0x3  }
0x34: {  	[smem:$0x3FB9] =	sst s10  }
0x35: {  	s10 =	sld [smem:$0x3FB8];
	_ =	sdelay $0x3  }
0x36: {  	p1 =	seq.s32 s10, $0x1;
	s10 =	sld [smem:$0x3FB9];
	_ =	sdelay $0x3  }
0x37: {  	[smem:$0x3FB9] =	sst s10  }
0x38: {  	s10 =	sld [smem:$0x3FBA]  }
0x39: {  	_ = 	snop;
	(pc) =	sbr.ind lr, $3  }
0x3a: {  	_ = 	snop  }
0x3b: {  	_ = 	snop  }
0x3c: {  	p2 =	seq.s32 s10, $0x1;
	s10 =	sld [smem:$0x3FB9]  }
0x3d: {  	_ =	shalt  }
0x3e: {  	_ =	shalt  }
0x3f: {  	_ =	shalt  }
0x40: {  	_ =	shalt  }
0x41: {  	_ =	shalt  }
0x42: {  	_ =	shalt  }
0x43: {  	_ =	shalt  }
0x44: {  	_ =	shalt  }
0x45: {  	_ =	shalt  }
0x46: {  	_ =	shalt  }
0x47: {  	_ =	shalt  }
0x48: {  	_ =	shalt  }
0x49: {  	_ =	shalt  }
0x4a: {  	_ =	shalt  }
0x4b: {  	_ =	shalt  }
0x4c: {  	_ =	shalt  }
0x4d: {  	_ =	shalt  }
0x4e: {  	_ =	shalt  }
0x4f: {  	_ =	shalt  }
0x50: {  	_ =	shalt  }
0x51: {  	_ =	shalt  }
0x52: {  	_ =	shalt  }
0x53: {  	_ =	shalt  }
0x54: {  	_ =	shalt  }
0x55: {  	_ =	shalt  }
0x56: {  	_ =	shalt  }
0x57: {  	_ =	shalt  }
0x58: {  	_ =	shalt  }
0x59: {  	_ =	shalt  }
0x5a: {  	_ =	shalt  }
0x5b: {  	_ =	shalt  }
0x5c: {  	_ =	shalt  }
0x5d: {  	_ =	shalt  }
0x5e: {  	_ =	shalt  }
0x5f: {  	_ =	shalt  }
0x60: {  	_ =	shalt  }
0x61: {  	_ =	shalt  }
0x62: {  	_ =	shalt  }
0x63: {  	_ =	shalt  }
0x64: {  	_ =	shalt  }
0x65: {  	_ =	shalt  }
0x66: {  	_ =	shalt  }
0x67: {  	_ =	shalt  }
0x68: {  	_ =	shalt  }
0x69: {  	_ =	shalt  }
0x6a: {  	_ =	shalt  }
0x6b: {  	_ =	shalt  }
0x6c: {  	_ =	shalt  }
0x6d: {  	_ =	shalt  }
0x6e: {  	_ =	shalt  }
0x6f: {  	_ =	shalt  }
0x70: {  	_ =	shalt  }
0x71: {  	_ =	shalt  }
0x72: {  	_ =	shalt  }
0x73: {  	_ =	shalt  }
0x74: {  	_ =	shalt  }
0x75: {  	_ =	shalt  }
0x76: {  	_ =	shalt  }
0x77: {  	_ =	shalt  }
0x78: {  	_ =	shalt  }
0x79: {  	_ =	shalt  }
0x7a: {  	_ =	shalt  }
0x7b: {  	_ =	shalt  }
0x7c: {  	_ =	shalt  }
0x7d: {  	_ =	shalt  }
0x7e: {  	_ =	shalt  }
0x7f: {  	_ =	shalt  }
0x80: {  	_ =	shalt  }
0x81: {  	_ =	shalt  }
0x82: {  	_ =	shalt  }
0x83: {  	_ =	shalt  }
0x84: {  	_ =	shalt  }
0x85: {  	_ =	shalt  }
0x86: {  	_ =	shalt  }
0x87: {  	_ =	shalt  }
.Lfunc_end0:
.L_simem_size_0:
called_computation.1_lowered:
.L_overlay_start_0:
0x88: {  	s2 =	sld [smem:$0x3FD9]  }
0x89: {  	s3 =	sld [smem:$0x3FFE];
	_ =	sdelay $0x1  }
0x8a: {  	s1 =	srdreg.scid  }
0x8b: {  	s0 =	sand.u32 $0x1, s1  }
0x8c: {  	s17 =	sshll.u32 s0, $0xA;
	s2 =	sadd.s32 s3, s2  }
0x8d: {  	s2 =	sadd.s32 s2, s17  }
0x8e: {  	[smem:$0x3FC5] =	sst s2  }
0x8f: {  	_ = 	snop  }
0x90: {  	s2 =	sld [smem:$0x3FD0];
	(tm) =	ssettm $0x1  }
0x91: {  	s18 =	sld [smem:$0x3FFB];
	_ =	sdelay $0x3  }
0x92: {  	_ =	strace s18  }
0x93: {  	s3 =	sld [smem:$0x3FFC];
	_ =	sdelay $0x3  }
0x94: {  	_ =	strace s3  }
0x95: {  	s3 =	sld [smem:$0x3FFD];
	_ =	sdelay $0x3  }
0x96: {  	_ =	strace s3  }
0x97: {  	_ =	strace $0x8FFFFFFF  }
0x98: {  	s19 =	sld [smem:$0x3FDB];
	_ =	sdelay $0x1  }
0x99: {  	s4 =	simm.s32 $_scs_section_size  }
0x9a: {  	s5 =	simm.s32 $_size__tile_overlayer_lowered;
	s6 =	simm.s32 $_tile_overlayer_lowered  }
0x9b: {  	s22 =	simm.s32 $0x1BFF;
	s21 =	sshll.u32 s6, $0x1;
	s3 =	sadd.s32 s4, s19  }
0x9c: {  	s7 =	simm.s32 $0x0;
	s20 =	sshll.u32 s5, $0x1;
	s5 =	sadd.s32 s21, s3  }
0x9d: {  	[timem:s7], [sflag:s22] =	dma.local [hbm:s5], s20  }
0x9e: {  	_ =	swait.ge [sflag:s22], s20  }
0x9f: {  	s4 =	ssub.s32 $0x0, s20;
	[sflag:s22] =	ssyncset.done $0x0  }
0xa0: {  	[sflag:s22] =	ssyncadd.s32 s4;
	_ =	sdelay $0x1  }
0xa1: {  	s23 =	simm.s32 $0x1B8B  }
0xa2: {  	_ =	swait.ge [sflag:s23], $0x1  }
0xa3: {  	[sflag:s23] =	ssyncset.done $0x0  }
0xa4: {  	s25 =	simm.s32 $0x1B8E;
	s24 =	sld [smem:$0x3FFE];
	[sflag:s23] =	ssyncadd.s32 $0xFFFFFFFF  }
0xa5: {  	s26 =	simm.s32 $execute0_lowered;
	[smem:$0x3FD2] =	sst s25  }
0xa6: {  	s5 =	sshll.u32 s26, $0x1;
	_ =	strace $0x80000046;
	[dreg:$0x1] =	wrdreg $0xFFFFFFFF  }
0xa7: {  	s28 =	simm.s32 $_size_execute0_lowered;
	s3 =	sadd.s32 s3, s5;
	[dreg:$0x0] =	wrdreg $0x0  }
0xa8: {  	s5 =	sshll.u32 s28, $0x1;
	[dreg:$0x2] =	wrdreg s3  }
0xa9: {  	[dreg:$0x3] =	wrdreg s5  }
0xaa: {  	[dreg:$0x4] =	wrdreg $0xC0  }
0xab: {  	_ =	task [dreg:s7], $0x5FFFF  }
0xac: {  	[dreg:$0x1] =	wrdreg $0xFFFFFFFF  }
0xad: {  	[dreg:$0x0] =	wrdreg $0x60  }
0xae: {  	[dreg:$0x2] =	wrdreg s24  }
0xaf: {  	[dreg:$0x3] =	wrdreg s2  }
0xb0: {  	[dreg:$0x4] =	wrdreg $0x9  }
0xb1: {  	_ =	task.clear_ibuf [dreg:s7], $0x5FFFF;
	_ =	strace $0x90000046  }
0xb2: {  	s29 =	simm.s32 $0x9;
	_ =	strace $0x80000048  }
0xb3: {  	_ =	swait.ge [sflag:s29], $0x1  }
0xb4: {  	[sflag:s29] =	ssyncadd.s32 $0xFFFFFFFF  }
0xb5: {  	_ =	strace $0x90000048  }
0xb6: {  	_ =	sfence  }
0xb7: {  	s30 =	sld [smem:$0x0];
	_ =	sdelay $0x2  }
0xb8: {  	s31 =	sshll.u32 s1, $0xD;
	s1 =	sshrl.u32 s1, $0x2  }
0xb9: {  	s3 =	sand.u32 $0x4000, s31;
	s1 =	sadd.s32 s1, s30  }
0xba: {  	s0 =	sor.u32 s3, s0;
	s1 =	sshll.u32 s1, $0x11  }
0xbb: {  	s0 =	sor.u32 s1, s0  }
0xbc: {  	s0 =	sadd.s32 $0x8F2B, s0  }
0xbd: {  	[sflag:s0] =	ssyncadd.remote.s32 $0x1  }
0xbe: {  	_ =	sfence.sel $0xFFFF  }
0xbf: {  	[dreg:$0x0] =	wrdreg $0xFFFFFFFF;
	(pc) =	sbr.abs _section_cstart, $3  }
0xc0: {  	[dreg:$0x1] =	wrdreg $0xFFFFFFFF  }
0xc1: {  	_ =	task.clear_ibuf [dreg:s7], $0x2FFFF;
	_ =	strace $0x9FFFFFFF  }
0xc2: {  	(tm) =	ssettm $0x7FFFFFFF  }
0xc3: {  	_ =	shalt  }
tec
execute0_lowered:
.L_overlay_start_1:
0x0: {  	(tag) =	ssettag $0x1  }
0x1: {  	s1 =	srdreg.scid;
	s6 =	rddreg [dreg:$0x0]  }
0x2: {  	s0 =	stileid.u32;
	s2 =	rddreg [dreg:$0x1];
	s3 =	simm.s32 $0x0  }
0x3: {  	s9 =	simm.s32 $0x11;
	s10 =	simm.s32 $0x1900;
	s11 =	simm.s32 $0xC8  }
0x4: {  	s12 =	simm.s32 $0x4B00;
	s13 =	simm.s32 $0x7D00;
	s14 =	simm.s32 $0x190  }
0x5: {  	s15 =	simm.s32 $0xAF00;
	s16 =	simm.s32 $0x258;
	s17 =	simm.s32 $0xE100  }
0x6: {  	s18 =	simm.s32 $0x320;
	s19 =	simm.s32 $0x11300;
	s1 =	sand.u32 $0x1, s1  }
0x7: {  	s20 =	simm.s32 $0xE;
	s4 =	sshll.u32 s0, $0x6;
	s5 =	sshll.u32 s1, $0x5  }
0x8: {  	s21 =	simm.s32 $0xF;
	s22 =	simm.s32 $0x10;
	s4 =	sor.u32 s5, s4  }
0x9: {  	[smem:$0x7FF] =	sst s3;
	s1 =	ssub.s32 $0x2, s1;
	s5 =	smul.u32 $0x19, s4  }
0xa: {  	s23 =	simm.s32 $0x0;
	_ =	strace $0x80000047;
	s7 =	sshrl.u32 s1, $0x1  }
0xb: {  	s1 =	ssub.s32 s1, s7;
	s8 =	sadd.s32 s5, s6;
	s5 =	sadd.s32 $0xF43000, s6  }
0xc: {  	s6 =	sadd.s32 $0x7000, s6;
	s7 =	sadd.s32 $0xC00, s8;
	s8 =	smax.u32 s1, $0x1  }
.LBB2_1:
0xd: {  	[tilespmem:s3], [sflag:$0x11] =	stream.linear.gather [hbm4b:s7+s3], $0x1900, $0x38;
	[tilespmem:$0x1DB00] =	vst v63  }
0xe: {  	_ =	swait.ge [sflag:s9], $0x1900  }
0xf: {  	[sflag:s9] =	ssyncset.done $0x0  }
0x10: {  	[sflag:s9] =	ssyncadd.s32 $0xFFFFE700  }
0x11: {  	[tilespmem:s10], [sflag:$0x11] =	stream.linear.gather [hbm4b:s6+s3], $0x3200, $0x38;
	[tilespmem:$0x1DB00] =	vst v63  }
0x12: {  	_ =	swait.ge [sflag:s9], $0x3200  }
0x13: {  	[sflag:s9] =	ssyncset.done $0x0  }
0x14: {  	[sflag:s9] =	ssyncadd.s32 $0xFFFFCE00  }
0x15: {  	[tilespmem:s12], [sflag:$0x1] =	stream.indirect.gather [hbm4b:s5+s11], $0x40, s3, s11, $0xb8;
	[tilespmem:$0x1DB00] =	vst v63  }
0x16: {  	_ = 	snop  }
0x17: {  	[tilespmem:s13], [sflag:$0x2] =	stream.indirect.gather [hbm4b:s5+s11], $0x40, s11, s11, $0xb8;
	[tilespmem:$0x1DB00] =	vst v63  }
0x18: {  	_ = 	snop  }
0x19: {  	[tilespmem:s15], [sflag:$0x3] =	stream.indirect.gather [hbm4b:s5+s11], $0x40, s14, s11, $0xb8;
	[tilespmem:$0x1DB00] =	vst v63  }
0x1a: {  	_ = 	snop  }
0x1b: {  	[tilespmem:s17], [sflag:$0x4] =	stream.indirect.gather [hbm4b:s5+s11], $0x40, s16, s11, $0xb8;
	[tilespmem:$0x1DB00] =	vst v63  }
0x1c: {  	s24 =	simm.s32 $0x0;
	s25 =	simm.s32 $0x0  }
0x1d: {  	[tilespmem:s19], [sflag:$0x5] =	stream.indirect.gather [hbm4b:s5+s11], $0x40, s18, s11, $0xb8;
	[tilespmem:$0x1DB00] =	vst v63  }
.LBB2_2:
0x1e: {  	s26 =	sadd.s32 $0x5, s25  }
0x1f: {  	p0 =	slt.u32 s25, $0x3;
	s1 =	sand.u32 $0x7, s26  }
0x20: {  	s28 =	sadd.s32 @!p0 $0x9, s1  }
0x21: {  	p1 =	sgt.u32 @!p0 s25, $0x1A;
	_ =	swait.ge @!p0 [sflag:s28], $0x3200  }
0x22: {  	p1 =	por p0, !p1;
	[sflag:s28] =	ssyncset.done @!p0 $0x0  }
0x23: {  	[sflag:s28] =	ssyncadd.s32 @!p0 $0xFFFFCE00;
	s28 =	smul.u32 @p1 $0xC800, s1  }
0x24: {  	s26 =	smul.u32 @p1 $0x320, s26  }
0x25: {  	s28 =	sshrl.u32 @p1 s28, $0x2  }
0x26: {  	s26 =	sshra.s32 @p1 s26, $0x2;
	s1 =	sadd.s32 @p1 $0x1, s1;
	s28 =	sadd.s32 @p1 $0x4B00, s28  }
0x27: {  	[tilespmem:s28], [sflag:s1] =	stream.indirect.gather @p1 [hbm4b:s5+s11], $0x40, s26, s11, $0xb8;
	[tilespmem:$0x1DB00] =	vst v63  }
0x28: {  	s1 =	sand.u32 $0x7, s24;
	s26 =	sand.u32 $0x7, s25  }
0x29: {  	s1 =	smul.u32 $0xC800, s1;
	s29 =	sadd.s32 $0x1, s26  }
0x2a: {  	_ =	swait.ge [sflag:s29], $0x3200  }
0x2b: {  	s1 =	sshrl.u32 s1, $0x2;
	[sflag:s29] =	ssyncset.done $0x0  }
0x2c: {  	s28 =	sadd.s32 $0x4B80, s1;
	[sflag:s29] =	ssyncadd.s32 $0xFFFFCE00  }
0x2d: {  	s29 =	simm.s32 $0x1980;
	v0 =	vld [tilespmem:s28+$0xFFFFFF80]  }
0x2e: {  	v1 =	vld [tilespmem:s29+$0xFFFFFF80];
	_ =	sdelay $0x4  }
0x2f: {  	v0 =	vadd.f32 v1, v0;
	_ =	sdelay $0x1  }
0x30: {  	[tilespmem:s28+$0xFFFFFF80] =	vst v0;
	v0 =	vld [tilespmem:s28+$0xFFFFFF90]  }
0x31: {  	v1 =	vld [tilespmem:s29+$0xFFFFFF90];
	_ =	sdelay $0x4  }
0x32: {  	v0 =	vadd.f32 v1, v0;
	_ =	sdelay $0x1  }
0x33: {  	[tilespmem:s28+$0xFFFFFF90] =	vst v0;
	v0 =	vld [tilespmem:s28+$0xFFFFFFA0]  }
0x34: {  	v1 =	vld [tilespmem:s29+$0xFFFFFFA0];
	_ =	sdelay $0x4  }
0x35: {  	v0 =	vadd.f32 v1, v0;
	_ =	sdelay $0x1  }
0x36: {  	[tilespmem:s28+$0xFFFFFFA0] =	vst v0;
	v0 =	vld [tilespmem:s28+$0xFFFFFFB0]  }
0x37: {  	v1 =	vld [tilespmem:s29+$0xFFFFFFB0];
	_ =	sdelay $0x4  }
0x38: {  	v0 =	vadd.f32 v1, v0;
	_ =	sdelay $0x1  }
0x39: {  	[tilespmem:s28+$0xFFFFFFB0] =	vst v0;
	v0 =	vld [tilespmem:s28+$0xFFFFFFC0]  }
0x3a: {  	v1 =	vld [tilespmem:s29+$0xFFFFFFC0];
	_ =	sdelay $0x4  }
0x3b: {  	v0 =	vadd.f32 v1, v0;
	_ =	sdelay $0x1  }
0x3c: {  	[tilespmem:s28+$0xFFFFFFC0] =	vst v0;
	v0 =	vld [tilespmem:s28+$0xFFFFFFD0]  }
0x3d: {  	v1 =	vld [tilespmem:s29+$0xFFFFFFD0];
	_ =	sdelay $0x4  }
0x3e: {  	v0 =	vadd.f32 v1, v0;
	_ =	sdelay $0x1  }
0x3f: {  	[tilespmem:s28+$0xFFFFFFD0] =	vst v0;
	v0 =	vld [tilespmem:s28+$0xFFFFFFE0]  }
0x40: {  	v1 =	vld [tilespmem:s29+$0xFFFFFFE0];
	_ =	sdelay $0x4  }
0x41: {  	v0 =	vadd.f32 v1, v0;
	_ =	sdelay $0x1  }
0x42: {  	[tilespmem:s28+$0xFFFFFFE0] =	vst v0;
	v0 =	vld [tilespmem:s28+$0xFFFFFFF0]  }
0x43: {  	v1 =	vld [tilespmem:s29+$0xFFFFFFF0];
	_ =	sdelay $0x4  }
0x44: {  	v0 =	vadd.f32 v1, v0;
	_ =	sdelay $0x1  }
0x45: {  	[tilespmem:s28+$0xFFFFFFF0] =	vst v0;
	v0 =	vld [tilespmem:s28+$0x0]  }
0x46: {  	v1 =	vld [tilespmem:s29+$0x0];
	_ =	sdelay $0x4  }
0x47: {  	v0 =	vadd.f32 v1, v0;
	_ =	sdelay $0x1  }
0x48: {  	[tilespmem:s28+$0x0] =	vst v0;
	v0 =	vld [tilespmem:s28+$0x10]  }
0x49: {  	v1 =	vld [tilespmem:s29+$0x10];
	_ =	sdelay $0x4  }
0x4a: {  	v0 =	vadd.f32 v1, v0;
	_ =	sdelay $0x1  }
0x4b: {  	[tilespmem:s28+$0x10] =	vst v0;
	v0 =	vld [tilespmem:s28+$0x20]  }
0x4c: {  	v1 =	vld [tilespmem:s29+$0x20];
	_ =	sdelay $0x4  }
0x4d: {  	v0 =	vadd.f32 v1, v0;
	_ =	sdelay $0x1  }
0x4e: {  	[tilespmem:s28+$0x20] =	vst v0;
	v0 =	vld [tilespmem:s28+$0x30]  }
0x4f: {  	v1 =	vld [tilespmem:s29+$0x30];
	_ =	sdelay $0x4  }
0x50: {  	v0 =	vadd.f32 v1, v0;
	_ =	sdelay $0x1  }
0x51: {  	[tilespmem:s28+$0x30] =	vst v0;
	v0 =	vld [tilespmem:s28+$0x40]  }
0x52: {  	v1 =	vld [tilespmem:s29+$0x40];
	_ =	sdelay $0x4  }
0x53: {  	v0 =	vadd.f32 v1, v0;
	_ =	sdelay $0x1  }
0x54: {  	[tilespmem:s28+$0x40] =	vst v0;
	v0 =	vld [tilespmem:s28+$0x50]  }
0x55: {  	v1 =	vld [tilespmem:s29+$0x50];
	_ =	sdelay $0x4  }
0x56: {  	v0 =	vadd.f32 v1, v0;
	_ =	sdelay $0x1  }
0x57: {  	[tilespmem:s28+$0x50] =	vst v0;
	v0 =	vld [tilespmem:s28+$0x60]  }
0x58: {  	v1 =	vld [tilespmem:s29+$0x60];
	_ =	sdelay $0x4  }
0x59: {  	v0 =	vadd.f32 v1, v0;
	_ =	sdelay $0x1  }
0x5a: {  	[tilespmem:s28+$0x60] =	vst v0;
	v0 =	vld [tilespmem:s28+$0x70]  }
0x5b: {  	v1 =	vld [tilespmem:s29+$0x70];
	_ =	sdelay $0x2  }
0x5c: {  	s1 =	smul.u32 $0xC800, s26;
	_ =	sdelay $0x1  }
0x5d: {  	s1 =	sshrl.u32 s1, $0x2;
	v0 =	vadd.f32 v1, v0  }
0x5e: {  	s31 =	simm.s32 $0x0;
	s30 =	sadd.s32 $0x4B00, s1;
	s1 =	sadd.s32 $0x100, s28  }
.LBB2_3:
0x5f: {  	v1 =	vld [tilespmem:s1+$0xFFFFFF80];
	[tilespmem:s28+$0x70] =	vst v0;
	s29 =	sadd.s32 $0x100, s29;
	s28 =	smov.u32 s1  }
0x60: {  	s31 =	sadd.s32 $0x4, s31;
	v0 =	vld [tilespmem:s29+$0xFFFFFF80]  }
0x61: {  	p0 =	slt.u32 s31, $0xC4;
	_ =	sdelay $0x3  }
0x62: {  	v0 =	vadd.f32 v0, v1;
	_ =	sdelay $0x1  }
0x63: {  	[tilespmem:s1+$0xFFFFFF80] =	vst v0;
	v0 =	vld [tilespmem:s1+$0xFFFFFF90]  }
0x64: {  	v1 =	vld [tilespmem:s29+$0xFFFFFF90];
	_ =	sdelay $0x4  }
0x65: {  	v0 =	vadd.f32 v1, v0;
	_ =	sdelay $0x1  }
0x66: {  	[tilespmem:s1+$0xFFFFFF90] =	vst v0;
	v0 =	vld [tilespmem:s1+$0xFFFFFFA0]  }
0x67: {  	v1 =	vld [tilespmem:s29+$0xFFFFFFA0];
	_ =	sdelay $0x4  }
0x68: {  	v0 =	vadd.f32 v1, v0;
	_ =	sdelay $0x1  }
0x69: {  	[tilespmem:s1+$0xFFFFFFA0] =	vst v0;
	v0 =	vld [tilespmem:s1+$0xFFFFFFB0]  }
0x6a: {  	v1 =	vld [tilespmem:s29+$0xFFFFFFB0];
	_ =	sdelay $0x4  }
0x6b: {  	v0 =	vadd.f32 v1, v0;
	_ =	sdelay $0x1  }
0x6c: {  	[tilespmem:s1+$0xFFFFFFB0] =	vst v0;
	v0 =	vld [tilespmem:s1+$0xFFFFFFC0]  }
0x6d: {  	v1 =	vld [tilespmem:s29+$0xFFFFFFC0];
	_ =	sdelay $0x4  }
0x6e: {  	v0 =	vadd.f32 v1, v0;
	_ =	sdelay $0x1  }
0x6f: {  	[tilespmem:s1+$0xFFFFFFC0] =	vst v0;
	v0 =	vld [tilespmem:s1+$0xFFFFFFD0]  }
0x70: {  	v1 =	vld [tilespmem:s29+$0xFFFFFFD0];
	_ =	sdelay $0x4  }
0x71: {  	v0 =	vadd.f32 v1, v0;
	_ =	sdelay $0x1  }
0x72: {  	[tilespmem:s1+$0xFFFFFFD0] =	vst v0;
	v0 =	vld [tilespmem:s1+$0xFFFFFFE0]  }
0x73: {  	v1 =	vld [tilespmem:s29+$0xFFFFFFE0];
	_ =	sdelay $0x4  }
0x74: {  	v0 =	vadd.f32 v1, v0;
	_ =	sdelay $0x1  }
0x75: {  	[tilespmem:s1+$0xFFFFFFE0] =	vst v0;
	v0 =	vld [tilespmem:s1+$0xFFFFFFF0]  }
0x76: {  	v1 =	vld [tilespmem:s29+$0xFFFFFFF0];
	_ =	sdelay $0x4  }
0x77: {  	v0 =	vadd.f32 v1, v0;
	_ =	sdelay $0x1  }
0x78: {  	[tilespmem:s1+$0xFFFFFFF0] =	vst v0;
	v0 =	vld [tilespmem:s1+$0x0]  }
0x79: {  	v1 =	vld [tilespmem:s29+$0x0];
	_ =	sdelay $0x4  }
0x7a: {  	v0 =	vadd.f32 v1, v0;
	_ =	sdelay $0x1  }
0x7b: {  	[tilespmem:s1+$0x0] =	vst v0;
	v0 =	vld [tilespmem:s1+$0x10]  }
0x7c: {  	v1 =	vld [tilespmem:s29+$0x10];
	_ =	sdelay $0x4  }
0x7d: {  	v0 =	vadd.f32 v1, v0;
	_ =	sdelay $0x1  }
0x7e: {  	[tilespmem:s1+$0x10] =	vst v0;
	v0 =	vld [tilespmem:s1+$0x20]  }
0x7f: {  	v1 =	vld [tilespmem:s29+$0x20];
	_ =	sdelay $0x4  }
0x80: {  	v0 =	vadd.f32 v1, v0;
	_ =	sdelay $0x1  }
0x81: {  	[tilespmem:s1+$0x20] =	vst v0;
	v0 =	vld [tilespmem:s1+$0x30]  }
0x82: {  	v1 =	vld [tilespmem:s29+$0x30];
	_ =	sdelay $0x4  }
0x83: {  	v0 =	vadd.f32 v1, v0;
	_ =	sdelay $0x1  }
0x84: {  	[tilespmem:s1+$0x30] =	vst v0;
	v0 =	vld [tilespmem:s1+$0x40]  }
0x85: {  	v1 =	vld [tilespmem:s29+$0x40];
	_ =	sdelay $0x4  }
0x86: {  	v0 =	vadd.f32 v1, v0;
	_ =	sdelay $0x1  }
0x87: {  	[tilespmem:s1+$0x40] =	vst v0;
	v0 =	vld [tilespmem:s1+$0x50]  }
0x88: {  	v1 =	vld [tilespmem:s29+$0x50];
	_ =	sdelay $0x4  }
0x89: {  	v0 =	vadd.f32 v1, v0;
	_ =	sdelay $0x1  }
0x8a: {  	[tilespmem:s1+$0x50] =	vst v0;
	v0 =	vld [tilespmem:s1+$0x60]  }
0x8b: {  	v1 =	vld [tilespmem:s29+$0x60];
	_ =	sdelay $0x4  }
0x8c: {  	v0 =	vadd.f32 v1, v0;
	_ =	sdelay $0x1  }
0x8d: {  	[tilespmem:s1+$0x60] =	vst v0;
	v0 =	vld [tilespmem:s1+$0x70]  }
0x8e: {  	v1 =	vld [tilespmem:s29+$0x70];
	_ =	sdelay $0x1  }
.Ltmp0:
0x8f: {  	(pc) =	sbr.rel @p0 .LBB2_3-.Ltmp0, $3  }
0x90: {  	_ =	sdelay $0x1  }
0x91: {  	v0 =	vadd.f32 v1, v0  }
0x92: {  	s1 =	sadd.s32 $0x100, s1  }
0x93: {  	s1 =	sadd.s32 s4, s25;
	s25 =	sadd.s32 $0x1, s25  }
0x94: {  	p0 =	sne.s32 s25, $0x20  }
.Ltmp1:
0x95: {  	_ = 	snop;
	(pc) =	sbr.rel @p0 .LBB2_2-.Ltmp1, $3  }
0x96: {  	s1 =	smul.u32 $0x640, s1;
	_ =	sdelay $0x1  }
0x97: {  	[tilespmem:s28+$0x70] =	vst v0;
	s26 =	sadd.s32 $0x9, s26;
	s24 =	sadd.s32 $0x1, s24;
	s1 =	sadd.s32 s2, s1  }
0x98: {  	[hbm4b:s1+s3] =	stream.linear.scatter [tilespmem:s30], [sflag:s26], $0x3200, $0x38;
	[tilespmem:$0x1DB00] =	vst v63  }
0x99: {  	_ =	swait.ge [sflag:s20], $0x3200  }
0x9a: {  	[sflag:s20] =	ssyncset.done $0x0  }
0x9b: {  	s23 =	sadd.s32 $0x1, s23;
	[sflag:s20] =	ssyncadd.s32 $0xFFFFCE00  }
0x9c: {  	p0 =	sne.s32 s23, s8;
	_ =	swait.ge [sflag:s21], $0x3200  }
.Ltmp2:
0x9d: {  	[sflag:s21] =	ssyncset.done $0x0;
	(pc) =	sbr.rel @p0 .LBB2_1-.Ltmp2, $4  }
0x9e: {  	[sflag:s21] =	ssyncadd.s32 $0xFFFFCE00  }
0x9f: {  	_ =	swait.ge [sflag:s22], $0x3200  }
0xa0: {  	[sflag:s22] =	ssyncset.done $0x0  }
0xa1: {  	[sflag:s22] =	ssyncadd.s32 $0xFFFFCE00  }
0xa2: {  	_ =	sfence.sel $0x180000  }
0xa3: {  	[bflag:$0x0] =	sbarrier.arrive $0xFFFF  }
0xa4: {  	_ =	strace $0x90000047  }
0xa5: {  	[bflag:$0x2] =	sbarrier.arrive $0xFFFF  }
0xa6: {  	p0 =	sne.s32 s0, $0x0;
	s0 =	rddreg [dreg:$0x2]  }
0xa7: {  	s0 =	sadd.s32 @!p0 $0x100000, s0  }
0xa8: {  	[sflag:s0] =	ssyncadd.tile.s32 @!p0 $0x1;
	_ =	shalt  }
.Lfunc_end2:
_tile_overlayer_lowered:
.L_overlay_start_2:
0xa9: {  	(tag) =	ssettag $0x2  }
0xaa: {  	s0 =	rddreg [dreg:$0x0];
	s2 =	stileid.u32  }
0xab: {  	s1 =	rddreg [dreg:$0x1];
	p0 =	sne.s32 s2, $0x0  }
0xac: {  	s3 =	rddreg [dreg:$0x2];
	[bflag:$0x3] =	sbarrier.arrive $0xFFFF;
	s2 =	simm.s32 @!p0 $0x1C11  }
0xad: {  	[timem:s3], [sflag:s2] =	dma.local @!p0 [hbm:s0], s1  }
0xae: {  	s0 =	simm.s32 @!p0 $0x11  }
0xaf: {  	_ =	swait.ge @!p0 [sflag:s0], s1  }
0xb0: {  	s1 =	ssub.s32 @!p0 $0x0, s1;
	[sflag:s0] =	ssyncset.done @!p0 $0x0  }
0xb1: {  	[sflag:s0] =	ssyncadd.s32 @!p0 s1  }
0xb2: {  	[bflag:$0x3] =	sbarrier.arrive $0xFFFF  }
0xb3: {  	_ =	shalt  }

// kernel: sparse-core-data-format-call.cloned.1.call-start
scs
called_computation_lowered:
.L_overlay_start_0:
0x0: {  	s2 =	sld [smem:$0x3FD9]  }
0x1: {  	s3 =	sld [smem:$0x3FFE];
	_ =	sdelay $0x1  }
0x2: {  	s1 =	srdreg.scid  }
0x3: {  	s0 =	sand.u32 $0x1, s1  }
0x4: {  	s18 =	sshll.u32 s0, $0xA;
	s2 =	sadd.s32 s3, s2  }
0x5: {  	s2 =	sadd.s32 s2, s18  }
0x6: {  	[smem:$0x3FC5] =	sst s2  }
0x7: {  	_ = 	snop  }
0x8: {  	s2 =	sld [smem:$0x3FD0];
	(tm) =	ssettm $0x1  }
0x9: {  	s19 =	sld [smem:$0x3FFB];
	_ =	sdelay $0x3  }
0xa: {  	_ =	strace s19  }
0xb: {  	s3 =	sld [smem:$0x3FFC];
	_ =	sdelay $0x3  }
0xc: {  	_ =	strace s3  }
0xd: {  	s3 =	sld [smem:$0x3FFD];
	_ =	sdelay $0x3  }
0xe: {  	_ =	strace s3  }
0xf: {  	_ =	strace $0x8FFFFFFF  }
0x10: {  	s20 =	sld [smem:$0x3FDB];
	_ =	sdelay $0x1  }
0x11: {  	s4 =	simm.s32 $_scs_section_size  }
0x12: {  	s5 =	simm.s32 $_size__tile_overlayer_lowered;
	s6 =	simm.s32 $_tile_overlayer_lowered  }
0x13: {  	s23 =	simm.s32 $0x1BFF;
	s22 =	sshll.u32 s6, $0x1;
	s3 =	sadd.s32 s4, s20  }
0x14: {  	s7 =	simm.s32 $0x0;
	s21 =	sshll.u32 s5, $0x1;
	s5 =	sadd.s32 s22, s3  }
0x15: {  	[timem:s7], [sflag:s23] =	dma.local [hbm:s5], s21  }
0x16: {  	_ =	swait.ge [sflag:s23], s21  }
0x17: {  	s4 =	ssub.s32 $0x0, s21;
	[sflag:s23] =	ssyncset.done $0x0  }
0x18: {  	[sflag:s23] =	ssyncadd.s32 s4;
	_ =	sdelay $0x1  }
0x19: {  	s24 =	simm.s32 $0x1B8B  }
0x1a: {  	_ =	swait.ge [sflag:s24], $0x1  }
0x1b: {  	[sflag:s24] =	ssyncset.done $0x0  }
0x1c: {  	s26 =	simm.s32 $0x1B8E;
	s25 =	sld [smem:$0x3FFE];
	[sflag:s24] =	ssyncadd.s32 $0xFFFFFFFF  }
0x1d: {  	s27 =	simm.s32 $execute0_lowered;
	[smem:$0x3FD2] =	sst s26  }
0x1e: {  	s5 =	sshll.u32 s27, $0x1;
	_ =	strace $0x80000049;
	[dreg:$0x1] =	wrdreg $0xFFFFFFFF  }
0x1f: {  	s28 =	simm.s32 $_size_execute0_lowered;
	s3 =	sadd.s32 s3, s5;
	[dreg:$0x0] =	wrdreg $0x0  }
0x20: {  	s5 =	sshll.u32 s28, $0x1;
	[dreg:$0x2] =	wrdreg s3  }
0x21: {  	[dreg:$0x3] =	wrdreg s5  }
0x22: {  	[dreg:$0x4] =	wrdreg $0xC0  }
0x23: {  	_ =	task [dreg:s7], $0x5FFFF  }
0x24: {  	[dreg:$0x1] =	wrdreg $0xFFFFFFFF  }
0x25: {  	[dreg:$0x0] =	wrdreg $0x60  }
0x26: {  	[dreg:$0x2] =	wrdreg s25  }
0x27: {  	[dreg:$0x3] =	wrdreg s2  }
0x28: {  	[dreg:$0x4] =	wrdreg $0x9  }
0x29: {  	_ =	task.clear_ibuf [dreg:s7], $0x5FFFF;
	_ =	strace $0x90000049  }
0x2a: {  	s29 =	simm.s32 $0x9;
	_ =	strace $0x8000004B  }
0x2b: {  	_ =	swait.ge [sflag:s29], $0x1  }
0x2c: {  	[sflag:s29] =	ssyncadd.s32 $0xFFFFFFFF  }
0x2d: {  	_ =	strace $0x9000004B  }
0x2e: {  	_ =	sfence  }
0x2f: {  	s30 =	sld [smem:$0x0];
	_ =	sdelay $0x2  }
0x30: {  	s31 =	sshll.u32 s1, $0xD;
	s1 =	sshrl.u32 s1, $0x2  }
0x31: {  	s3 =	sand.u32 $0x4000, s31;
	s1 =	sadd.s32 s1, s30  }
0x32: {  	s0 =	sor.u32 s3, s0;
	s1 =	sshll.u32 s1, $0x11  }
0x33: {  	s0 =	sor.u32 s1, s0  }
0x34: {  	s0 =	sadd.s32 $0x8F2B, s0  }
0x35: {  	[sflag:s0] =	ssyncadd.remote.s32 $0x1  }
0x36: {  	_ =	sfence.sel $0xFFFF  }
0x37: {  	[dreg:$0x0] =	wrdreg $0xFFFFFFFF;
	(pc) =	sbr.abs _section_cstart, $3  }
0x38: {  	[dreg:$0x1] =	wrdreg $0xFFFFFFFF  }
0x39: {  	_ =	task.clear_ibuf [dreg:s7], $0x2FFFF;
	_ =	strace $0x9FFFFFFF  }
0x3a: {  	(tm) =	ssettm $0x7FFFFFFF  }
0x3b: {  	_ =	shalt  }
tec
execute0_lowered:
.L_overlay_start_1:
0x0: {  	(tag) =	ssettag $0x1  }
0x1: {  	s0 =	stileid.u32;
	s6 =	rddreg [dreg:$0x0]  }
0x2: {  	s2 =	rddreg [dreg:$0x1];
	s5 =	srdreg.scid  }
0x3: {  	s31 =	simm.s32 $0x2;
	s13 =	simm.s32 $0x0;
	s1 =	sshll.u32 s0, $0x7  }
0x4: {  	s14 =	simm.s32 $0x0;
	s12 =	simm.s32 $0x0;
	s3 =	sand.u32 $0x380, s1  }
0x5: {  	s5 =	sshll.u32 s5, $0x4;
	s6 =	sadd.s32 $0xC00, s6;
	s4 =	ssub.s32 $0x400, s3  }
0x6: {  	s1 =	rddreg [dreg:$0x2];
	_ =	strace $0x8000004A;
	s7 =	sand.u32 $0x380, s4  }
0x7: {  	s5 =	sand.u32 $0x10, s5;
	p0 =	sne.s32 s7, $0x0;
	s7 =	simm.s32 $0x1  }
.Ltmp0:
0x8: {  	s8 =	sshrl.u32 s4, $0xA;
	s7 =	simm.s32 @!p0 $0x0;
	(pc) =	sbr.rel .LBB1_1-.Ltmp0, $4  }
0x9: {  	s9 =	sor.u32 s0, s5;
	s4 =	simm.s32 $0x1;
	s30 =	sadd.s32 s7, s8  }
0xa: {  	s11 =	smov.u32 s3;
	[sflag:s4] =	ssyncpa.u1 $0x0;
	s5 =	smul.u32 $0x32, s30  }
0xb: {  	[sflag:s31] =	ssyncpa.u1 $0x0;
	p0 =	por $0x0, $0x0;
	s7 =	sshrl.u32 s9, $0x3  }
0xc: {  	s9 =	simm.s32 $0x2000;
	s10 =	smov.u32 s7;
	s8 =	sor.u32 $0x1, s5  }
.LBB1_4:
0xd: {  	s17 =	sand.u32 $0x1F80, s14;
	s13 =	sshll.u32 s13, $0xD  }
0xe: {  	[tilespmem:s16+$0x810 ss:$0x81] =	vst.msk $0xffff, v2;
	s18 =	sshrl.u32 s14, $0x3;
	s31 =	sand.u32 $0x7, s14;
	s17 =	sadd.s32 s2, s17  }
0xf: {  	[tilespmem:s16+$0x1020 ss:$0x81] =	vst.msk $0xffff, v0;
	s18 =	sand.u32 $0xF, s18;
	s14 =	sshll.u32 s31, $0x12;
	s13 =	sadd.s32 s13, s17  }
0x10: {  	[tilespmem:s16+$0x0 ss:$0x81] =	vst.msk $0xffff, v1;
	s14 =	sor.u32 $0x400, s14;
	s13 =	sadd.s32 s18, s13  }
0x11: {  	[hbm4b:s13+s14] =	stream.strided.scatter [tilespmem:s15], [sflag:$0x2], $0x2000, s9, s14, $0x20;
	[tilespmem:$0x8080] =	vst v63  }
.LBB1_5:
0x12: {  	s15 =	sadd.s32 $0x4, s10  }
0x13: {  	s13 =	sadd.s32 $0x400, s11;
	s17 =	smov.u32 s11;
	p2 =	sgt.s32 s15, $0xC7  }
0x14: {  	s17 =	smov.u32 @p2 s13  }
0x15: {  	s15 =	smov.u32 @p2 s7;
	p2 =	sgt.s32 s17, $0x3FF  }
0x16: {  	s17 =	smov.u32 @p2 s3;
	p2 =	sne.s32 s12, s8  }
.Ltmp1:
0x17: {  	p1 =	slt.u32 s12, $0x2;
	(pc) =	sbr.rel @!p2 .LBB1_6-.Ltmp1, $4  }
0x18: {  	s16 =	simm.s32 @!p1 $0x2  }
0x19: {  	s14 =	smov.u32 s11;
	p0 =	por !p0, !p0;
	_ =	swait.ge @!p1 [sflag:s16], $0x2000  }
0x1a: {  	s13 =	smov.u32 s10;
	[sflag:s16] =	ssyncset.done @!p1 $0x0;
	s10 =	smov.u32 s15  }
0x1b: {  	s12 =	sadd.s32 $0x1, s12;
	[sflag:s16] =	ssyncadd.s32 @!p1 $0xFFFFE000;
	s11 =	smov.u32 s17  }
.LBB1_1:
0x1c: {  	p1 =	sge.u32 s12, s5  }
0x1d: {  	s15 =	sand.u32 @!p1 $0x1FFFFFF, s10  }
0x1e: {  	s16 =	smulhi.u32 @!p1 $0x147AE15, s15;
	_ =	sdelay $0x1  }
0x1f: {  	s16 =	smul.u32 @!p1 $0xC8, s16  }
0x20: {  	s17 =	sxor.u32 @!p1 $0xFFFFFFFF, s12;
	s18 =	smul.u32 @!p1 $0xC80, s11  }
0x21: {  	s31 =	sadd.s32 $0xFFFFFFFF, s12;
	s17 =	sshll.u32 @!p1 s17, $0xD;
	s15 =	ssub.s32 @!p1 s15, s16  }
0x22: {  	s16 =	sand.u32 @!p1 $0x2000, s17;
	s17 =	sadd.s32 @!p1 s6, s18;
	s15 =	sshll.u32 @!p1 s15, $0x4  }
0x23: {  	s18 =	simm.s32 @!p1 $0x6400;
	s15 =	sadd.s32 @!p1 s15, s17;
	s17 =	simm.s32 @!p1 $0x40  }
0x24: {  	[tilespmem:s16], [sflag:$0x1] =	stream.strided.gather @!p1 [hbm4b:s15+s17], $0x2000, s18, s17, $0x38;
	[tilespmem:$0x8080] =	vst v63  }
0x25: {  	p1 =	sge.u32 s31, s5  }
.Ltmp2:
0x26: {  	_ = 	snop;
	(pc) =	sbr.rel @p1 .LBB1_5-.Ltmp2, $1  }
0x27: {  	_ =	sdelay $0x3  }
0x28: {  	s15 =	simm.s32 $0x1  }
0x29: {  	_ =	swait.ge [sflag:s4], $0x2000;
	s15 =	simm.s32 @!p0 $0x0  }
0x2a: {  	[sflag:s4] =	ssyncset.done $0x0;
	s16 =	sshll.u32 s15, $0xD  }
0x2b: {  	[sflag:s4] =	ssyncadd.s32 $0xFFFFE000;
	s19 =	sor.u32 $0x20, s16  }
0x2c: {  	s15 =	smul.u32 $0x8100, s15;
	v3 =	vld [tilespmem:s19+$0x10]  }
0x2d: {  	s30 =	sand.u32 $0x1, s12;
	v2 =	vld [tilespmem:s19+$0xFFFFFFF0]  }
0x2e: {  	s16 =	smul.u32 $0x8100, s30;
	s15 =	sshrl.u32 s15, $0x2;
	v0 =	vld [tilespmem:s19+$0x0]  }
0x2f: {  	v1 =	vld [tilespmem:s19+$0xFFFFFFE0];
	s17 =	sor.u32 $0x4000, s15  }
0x30: {  	s31 =	sshrl.u32 s16, $0x2;
	s16 =	sadd.s32 $0x0, s17  }
0x31: {  	s18 =	simm.s32 $0x4;
	s19 =	sadd.s32 $0x40, s19;
	s15 =	sor.u32 $0x4000, s31;
	[tilespmem:s16+$0x1830 ss:$0x81] =	vst.msk $0xffff, v3  }
.LBB1_3:
0x32: {  	v3 =	vld [tilespmem:s19+$0x10];
	p1 =	sne.s32 s18, $0x1FC;
	[tilespmem:s16+$0x810 ss:$0x81] =	vst.msk $0xffff, v2;
	s20 =	smov.u32 s18;
	s18 =	sadd.s32 $0x4, s18  }
.Ltmp3:
0x33: {  	v2 =	vld [tilespmem:s19+$0xFFFFFFF0];
	[tilespmem:s16+$0x1020 ss:$0x81] =	vst.msk $0xffff, v0;
	(pc) =	sbr.rel @p1 .LBB1_3-.Ltmp3, $4  }
0x34: {  	v0 =	vld [tilespmem:s19+$0x0];
	[tilespmem:s16+$0x0 ss:$0x81] =	vst.msk $0xffff, v1  }
0x35: {  	s16 =	sshra.s32 s20, $0x2;
	v1 =	vld [tilespmem:s19+$0xFFFFFFE0]  }
0x36: {  	s16 =	sadd.s32 s16, s17  }
0x37: {  	s19 =	sadd.s32 $0x40, s19;
	[tilespmem:s16+$0x1830 ss:$0x81] =	vst.msk $0xffff, v3  }
.Ltmp4:
0x38: {  	_ = 	snop;
	(pc) =	sbr.rel .LBB1_4-.Ltmp4, $1  }
0x39: {  	_ =	sdelay $0x3  }
.LBB1_6:
0x3a: {  	_ =	sfence.sel $0x180000  }
0x3b: {  	s2 =	simm.s32 $0x1;
	[bflag:$0x0] =	sbarrier.arrive $0xFFFF  }
0x3c: {  	s31 =	simm.s32 $0x2;
	[sflag:s2] =	ssyncpa.u1 $0x1  }
0x3d: {  	[sflag:s31] =	ssyncpa.u1 $0x1  }
0x3e: {  	p0 =	sne.s32 s0, $0x0;
	_ =	strace $0x9000004A  }
0x3f: {  	s0 =	sadd.s32 @!p0 $0x100000, s1;
	[bflag:$0x2] =	sbarrier.arrive $0xFFFF  }
0x40: {  	[sflag:s0] =	ssyncadd.tile.s32 @!p0 $0x1;
	_ =	shalt  }
.Lfunc_end1:
_tile_overlayer_lowered:
.L_overlay_start_2:
0x41: {  	(tag) =	ssettag $0x2  }
0x42: {  	s0 =	rddreg [dreg:$0x0];
	s2 =	stileid.u32  }
0x43: {  	s1 =	rddreg [dreg:$0x1];
	p0 =	sne.s32 s2, $0x0  }
0x44: {  	s3 =	rddreg [dreg:$0x2];
	[bflag:$0x3] =	sbarrier.arrive $0xFFFF;
	s2 =	simm.s32 @!p0 $0x1C01  }
0x45: {  	[timem:s3], [sflag:s2] =	dma.local @!p0 [hbm:s0], s1  }
0x46: {  	s0 =	simm.s32 @!p0 $0x1  }
0x47: {  	_ =	swait.ge @!p0 [sflag:s0], s1  }
0x48: {  	s1 =	ssub.s32 @!p0 $0x0, s1;
	[sflag:s0] =	ssyncset.done @!p0 $0x0  }
0x49: {  	[sflag:s0] =	ssyncadd.s32 @!p0 s1  }
0x4a: {  	[bflag:$0x3] =	sbarrier.arrive $0xFFFF  }
0x4b: {  	_ =	shalt  }

</sc_bundles>
